<compile_context>
chip_gen: v7x
topology: tpu7x:2x2x1
jax: 0.10.2.dev20260603
libtpu: 0.0.44.dev20260713+nightly
codegen_flags: <defaults>
</compile_context>

<pallas_src>
import functools

import jax
import jax.numpy as jnp
from jax import lax
from jax.experimental import pallas as pl
from jax.experimental.pallas import tpu as pltpu
from jax.experimental.pallas import tpu_sc as plsc

N_NODES = 100000
N_EDGES = 1600000
D_EDGE = 16
D_FEAT = 128
N_OUT = 128

NUM_CORES = 2
NUM_SUBCORES = 16

SUB = 80
K_SUB = 10
BIG = SUB * K_SUB
E_PER_TILE = N_EDGES // NUM_SUBCORES
N_BIG = E_PER_TILE // BIG
N_PAD = 100352
ROWS_PER_TILE = N_PAD // NUM_SUBCORES
ZROWS = 784
N_ZCHUNK = ROWS_PER_TILE // ZROWS
LAST_ROWS = N_NODES - (NUM_SUBCORES - 1) * ROWS_PER_TILE


def _sc_segment_sums(edge_rows, idx_all):
  mesh = plsc.VectorSubcoreMesh(
      core_axis_name="c", subcore_axis_name="s")

  @functools.partial(
      pl.kernel,
      mesh=mesh,
      out_type=[
          jax.ShapeDtypeStruct((N_NODES, D_EDGE), jnp.float32),
          jax.ShapeDtypeStruct((N_NODES, D_EDGE), jnp.float32),
      ],
      scratch_types=[
          pltpu.VMEM_SHARED((N_PAD, D_EDGE), jnp.float32),
          pltpu.VMEM((BIG, D_EDGE), jnp.float32),
          pltpu.VMEM((BIG, D_EDGE), jnp.float32),
          pltpu.VMEM((BIG,), jnp.int32),
          pltpu.VMEM((BIG,), jnp.int32),
          pltpu.SemaphoreType.DMA,
          pltpu.SemaphoreType.DMA,
      ],
      compiler_params=pltpu.CompilerParams(use_tc_tiling_on_sc=False),
  )
  def seg(edge_hbm, idx_hbm, recv_hbm, send_hbm, accum, rows_a, rows_b,
          idx_a, idx_b, sem_a, sem_b):
    c = lax.axis_index("c")
    s = lax.axis_index("s")

    def zfill(i, carry):
      rows_a[i, :] = jnp.zeros((D_EDGE,), jnp.float32)
      return carry
    lax.fori_loop(0, BIG, zfill, 0)
    zbase = s * ROWS_PER_TILE

    def zcopy(t, carry):
      pltpu.sync_copy(rows_a.at[pl.ds(0, ZROWS)],
                      accum.at[pl.ds(zbase + t * ZROWS, ZROWS)])
      return carry
    lax.fori_loop(0, N_ZCHUNK, zcopy, 0)
    plsc.subcore_barrier()

    ebase = s * E_PER_TILE
    sel = 1 - c

    def start_window(w, rows, idxv, sem):
      pltpu.async_copy(edge_hbm.at[pl.ds(ebase + w * BIG, BIG)], rows, sem)
      pltpu.async_copy(idx_hbm.at[sel, pl.ds(ebase + w * BIG, BIG)], idxv,
                       sem)

    def wait_window(rows, idxv, sem):
      pltpu.make_async_copy(edge_hbm.at[pl.ds(0, BIG)], rows, sem).wait()
      pltpu.make_async_copy(idx_hbm.at[0, pl.ds(0, BIG)], idxv, sem).wait()

    def scatter(rows, idxv):
      for j in range(K_SUB):
        pltpu.sync_copy(rows.at[pl.ds(j * SUB, SUB)],
                        accum.at[idxv.at[pl.ds(j * SUB, SUB)]], add=True)

    start_window(0, rows_a, idx_a, sem_a)

    def db(i, carry):
      w0 = 2 * i
      start_window(w0 + 1, rows_b, idx_b, sem_b)
      wait_window(rows_a, idx_a, sem_a)
      scatter(rows_a, idx_a)
      start_window(w0 + 2, rows_a, idx_a, sem_a)
      wait_window(rows_b, idx_b, sem_b)
      scatter(rows_b, idx_b)
      return carry
    lax.fori_loop(0, (N_BIG - 1) // 2, db, 0)
    wait_window(rows_a, idx_a, sem_a)
    scatter(rows_a, idx_a)
    plsc.subcore_barrier()

    obase = s * ROWS_PER_TILE

    @pl.when(c == 0)
    def _():
      @pl.when(s < NUM_SUBCORES - 1)
      def _():
        pltpu.sync_copy(accum.at[pl.ds(obase, ROWS_PER_TILE)],
                        recv_hbm.at[pl.ds(obase, ROWS_PER_TILE)])

      @pl.when(s == NUM_SUBCORES - 1)
      def _():
        pltpu.sync_copy(accum.at[pl.ds(obase, LAST_ROWS)],
                        recv_hbm.at[pl.ds(obase, LAST_ROWS)])

    @pl.when(c == 1)
    def _():
      @pl.when(s < NUM_SUBCORES - 1)
      def _():
        pltpu.sync_copy(accum.at[pl.ds(obase, ROWS_PER_TILE)],
                        send_hbm.at[pl.ds(obase, ROWS_PER_TILE)])

      @pl.when(s == NUM_SUBCORES - 1)
      def _():
        pltpu.sync_copy(accum.at[pl.ds(obase, LAST_ROWS)],
                        send_hbm.at[pl.ds(obase, LAST_ROWS)])

  return seg(edge_rows, idx_all)


def _mm_body(recv_ref, send_ref, node_ref, wr_ref, ws_ref, wn_ref, b_ref,
             out_ref):
  acc = jnp.dot(recv_ref[...], wr_ref[...],
                preferred_element_type=jnp.float32)
  acc += jnp.dot(send_ref[...], ws_ref[...],
                 preferred_element_type=jnp.float32)
  acc += jnp.dot(node_ref[...], wn_ref[...],
                 preferred_element_type=jnp.float32)
  acc += b_ref[...]
  out_ref[...] = jnp.maximum(acc, 0.0)


BM = 1000


def _tc_project(recv, send, node_attr, W, b):
  wr = W[0:D_EDGE]
  ws = W[D_EDGE:2 * D_EDGE]
  wn = W[2 * D_EDGE:]
  b2 = b.reshape(1, N_OUT)
  grid = (N_NODES // BM,)
  return pl.pallas_call(
      _mm_body,
      grid=grid,
      in_specs=[
          pl.BlockSpec((BM, D_EDGE), lambda i: (i, 0)),
          pl.BlockSpec((BM, D_EDGE), lambda i: (i, 0)),
          pl.BlockSpec((BM, D_FEAT), lambda i: (i, 0)),
          pl.BlockSpec((D_EDGE, N_OUT), lambda i: (0, 0)),
          pl.BlockSpec((D_EDGE, N_OUT), lambda i: (0, 0)),
          pl.BlockSpec((D_FEAT, N_OUT), lambda i: (0, 0)),
          pl.BlockSpec((1, N_OUT), lambda i: (0, 0)),
      ],
      out_specs=pl.BlockSpec((BM, N_OUT), lambda i: (i, 0)),
      out_shape=jax.ShapeDtypeStruct((N_NODES, N_OUT), jnp.float32),
  )(recv, send, node_attr, wr, ws, wn, b2)


def kernel(node_attr, edge_attr, edge_index, W, b):
  recv, send = _sc_segment_sums(edge_attr, edge_index.astype(jnp.int32))
  return _tc_project(recv, send, node_attr, W, b)

# --- scband reference (transcript-rebuilt; emitter-appended) ---
"""Pipeline reference for scband-node-model-38439957299909 (READ-ONLY COPY).

The authoritative reference and input builder live on the scoring server;
editing this copy changes nothing except your own understanding.
"""

import jax, jax.numpy as jnp
import numpy as np

N_NODES = 100000
N_EDGES = 1600000
D_FEAT = 128
D_EDGE = 16
N_IN = D_EDGE + D_EDGE + D_FEAT  # receivers + senders + own = 160
N_OUT = 128


def setup_inputs(seed: int = 0) -> dict:
    key = jax.random.key(seed)
    k1, k2, k3, k4 = jax.random.split(key, 4)
    node_attr = jax.random.normal(k1, (N_NODES, D_FEAT), dtype=jnp.float32)
    edge_attr = jax.random.normal(k2, (N_EDGES, D_EDGE), dtype=jnp.float32)
    edge_index = jax.random.randint(k3, (2, N_EDGES), 0, N_NODES, dtype=jnp.int64 if jax.config.jax_enable_x64 else jnp.int32)
    W = jax.random.normal(k4, (N_IN, N_OUT), dtype=jnp.float32) * (1.0 / np.sqrt(N_IN))
    b = jnp.zeros((N_OUT,), dtype=jnp.float32)
    return {"node_attr": node_attr, "edge_attr": edge_attr, "edge_index": edge_index, "W": W, "b": b}


def reference(node_attr, edge_attr, edge_index, W, b):
    # collect_attrs: with_receivers + with_senders + with_nodes_own, aggr='sum'
    row = edge_index[0]
    col = edge_index[1]
    n_nodes = node_attr.shape[0]
    recv = jax.ops.segment_sum(edge_attr, col, num_segments=n_nodes)  # scatter-add to receivers
    send = jax.ops.segment_sum(edge_attr, row, num_segments=n_nodes)  # scatter-add from senders
    attrs = jnp.concatenate([recv, send, node_attr], axis=-1)
    # node_project_fn: Linear
    out = attrs @ W + b
    # activation_fn: ReLU
    out = jax.nn.relu(out)
    # dropout(p=0.0) in eval -> identity; normalize=False -> no BatchNorm
    return out

if __name__ == "__main__":
    import jax
    _d = setup_inputs()
    print(jax.jit(kernel)(*tuple(_d.values())))

</pallas_src>

<mosaic_0001>
#map = affine_map<(d0, d1) -> (0, 0)>
module attributes {stable_mosaic.version = 14 : i64} {
  func.func @seg(%arg0: i32, %arg1: i32, %arg2: memref<1600000x16xf32, #tpu.memory_space<hbm>>, %arg3: memref<2x1600000xi32, #tpu.memory_space<hbm>>, %arg4: memref<100000x16xf32, #tpu.memory_space<hbm>>, %arg5: memref<100000x16xf32, #tpu.memory_space<hbm>>, %arg6: memref<100352x16xf32, #tpu.memory_space<vmem_shared>>, %arg7: memref<800x16xf32, #tpu.memory_space<vmem>>, %arg8: memref<800x16xf32, #tpu.memory_space<vmem>>, %arg9: memref<800xi32, #tpu.memory_space<vmem>>, %arg10: memref<800xi32, #tpu.memory_space<vmem>>, %arg11: memref<!tpu.dma_semaphore, #tpu.memory_space<semaphore_mem>>, %arg12: memref<!tpu.dma_semaphore, #tpu.memory_space<semaphore_mem>>) attributes {dimension_semantics = [#tpu.dimension_semantics<core_parallel>, #tpu.dimension_semantics<subcore_parallel>], iteration_bounds = array<i64: 2, 16>, scalar_prefetch = 0 : i64, scratch_operands = 7 : i64, tpu.core_type = #tpu.core_type<sc_vector_subcore>, window_params = [{transform_indices = #map}, {transform_indices = #map}, {transform_indices = #map}, {transform_indices = #map}]} {
    %scan3A = arith.constant 0 : i32
    %scan3A_0 = arith.constant 0 : i32
    %scan3A_1 = arith.constant 800 : i32
    %scan3A_2 = arith.addi %scan3A_0, %scan3A_1 : i32
    %scan3A_3 = arith.constant 1 : i32
    scf.for %scan3A_53 = %scan3A_0 to %scan3A_2 step %scan3A_3  : i32 {
      %broadcast_in_dim3A = arith.constant 0.000000e+00 : f32
      %broadcast_in_dim3A_54 = vector.broadcast %broadcast_in_dim3A : f32 to vector<16xf32>
      %swap3A = arith.index_cast %scan3A_53 : i32 to index
      %swap3A_55 = arith.constant 0 : index
      %swap3A_56 = tpu.vector_load %arg7[%swap3A, %swap3A_55] {strides = array<i32>} : memref<800x16xf32, #tpu.memory_space<vmem>>, vector<1x16xf32>,
      %swap3A_57 = vector.shape_cast %swap3A_56 : vector<1x16xf32> to vector<16xf32>
      %swap3A_58 = vector.shape_cast %broadcast_in_dim3A_54 : vector<16xf32> to vector<1x16xf32>
      tpu.vector_store %arg7[%swap3A, %swap3A_55], %swap3A_58 {strides = array<i32>} : memref<800x16xf32, #tpu.memory_space<vmem>>, vector<1x16xf32>,
    }
    %scan3A_4 = arith.constant 800 : i32
    %mul3A = arith.constant 6272 : i32
    %mul3A_5 = arith.muli %arg1, %mul3A : i32
    %scan3A_6 = arith.constant 0 : i32
    %scan3A_7 = arith.constant 0 : i32
    %scan3A_8 = arith.constant 8 : i32
    %scan3A_9 = arith.addi %scan3A_7, %scan3A_8 : i32
    %scan3A_10 = arith.constant 1 : i32
    scf.for %scan3A_53 = %scan3A_7 to %scan3A_9 step %scan3A_10  : i32 {
      %mul3A_54 = arith.constant 784 : i32
      %mul3A_55 = arith.muli %scan3A_53, %mul3A_54 : i32
      %add3A_56 = arith.addi %mul3A_5, %mul3A_55 : i32
      "tpu.region"() ({
        %run_scoped3A = tpu.sem_alloc : memref<!tpu.dma_semaphore, #tpu.memory_space<semaphore_mem>>
        %dma_start3A_57 = arith.constant 0 : i32
        %dma_start3A_58 = arith.constant 0 : i32
        %dma_start3A_59 = tpu.memref_slice %arg7[%dma_start3A_57, %dma_start3A_58] : memref<800x16xf32, #tpu.memory_space<vmem>> -> memref<784x16xf32, #tpu.memory_space<vmem>>
        %dma_start3A_60 = arith.constant 0 : i32
        %dma_start3A_61 = tpu.memref_slice %arg6[%add3A_56, %dma_start3A_60] : memref<100352x16xf32, #tpu.memory_space<vmem_shared>> -> memref<784x16xf32, #tpu.memory_space<vmem_shared>>
        %dma_start3A_62 = arith.constant 0 : i32
        %dma_start3A_63 = tpu.memref_slice %arg6[%add3A_56, %dma_start3A_62] : memref<100352x16xf32, #tpu.memory_space<vmem_shared>> -> memref<784x16xf32, #tpu.memory_space<vmem_shared>>
        %dma_start3A_64 = arith.constant 0 : i32
        %dma_start3A_65 = arith.constant 0 : i32
        %dma_start3A_66 = tpu.memref_slice %arg7[%dma_start3A_64, %dma_start3A_65] : memref<800x16xf32, #tpu.memory_space<vmem>> -> memref<784x16xf32, #tpu.memory_space<vmem>>
        tpu.enqueue_dma source(%dma_start3A_66 : memref<784x16xf32, #tpu.memory_space<vmem>>) target(%dma_start3A_63 : memref<784x16xf32, #tpu.memory_space<vmem_shared>>) target_semaphore(%run_scoped3A : memref<!tpu.dma_semaphore, #tpu.memory_space<semaphore_mem>>)
        %dma_wait3A_67 = arith.constant 0 : i32
        %dma_wait3A_68 = arith.constant 0 : i32
        %dma_wait3A_69 = tpu.memref_slice %arg7[%dma_wait3A_67, %dma_wait3A_68] : memref<800x16xf32, #tpu.memory_space<vmem>> -> memref<784x16xf32, #tpu.memory_space<vmem>>
        %dma_wait3A_70 = arith.constant 0 : i32
        %dma_wait3A_71 = tpu.memref_slice %arg6[%add3A_56, %dma_wait3A_70] : memref<100352x16xf32, #tpu.memory_space<vmem_shared>> -> memref<784x16xf32, #tpu.memory_space<vmem_shared>>
        %dma_wait3A_72 = arith.constant 0 : i32
        %dma_wait3A_73 = tpu.memref_slice %arg6[%add3A_56, %dma_wait3A_72] : memref<100352x16xf32, #tpu.memory_space<vmem_shared>> -> memref<784x16xf32, #tpu.memory_space<vmem_shared>>
        %dma_wait3A_74 = arith.constant 0 : i32
        %dma_wait3A_75 = arith.constant 0 : i32
        %dma_wait3A_76 = tpu.memref_slice %arg7[%dma_wait3A_74, %dma_wait3A_75] : memref<800x16xf32, #tpu.memory_space<vmem>> -> memref<784x16xf32, #tpu.memory_space<vmem>>
        tpu.wait_dma2 semaphore(%run_scoped3A : memref<!tpu.dma_semaphore, #tpu.memory_space<semaphore_mem>>) src(%dma_wait3A_76 : memref<784x16xf32, #tpu.memory_space<vmem>>) dst(%dma_wait3A_73 : memref<784x16xf32, #tpu.memory_space<vmem_shared>>)
        tpu.yield
      }) : () -> ()
    }
    %scan3A_11 = arith.constant 8 : i32
    %barrier3A = arith.constant 0 : index
    tpu.barrier barrier_id(%barrier3A)
    %mul3A_12 = arith.constant 100000 : i32
    %mul3A_13 = arith.muli %arg1, %mul3A_12 : i32
    %sub3A = arith.constant 1 : i32
    %sub3A_14 = arith.subi %sub3A, %arg0 : i32
    %add3A = arith.constant 0 : i32
    %add3A_15 = arith.addi %mul3A_13, %add3A : i32
    %dma_start3A = arith.constant 0 : i32
    %dma_start3A_16 = tpu.memref_slice %arg2[%add3A_15, %dma_start3A] : memref<1600000x16xf32, #tpu.memory_space<hbm>> -> memref<800x16xf32, #tpu.memory_space<hbm>>
    %dma_start3A_17 = arith.constant 0 : i32
    %dma_start3A_18 = tpu.memref_slice %arg2[%add3A_15, %dma_start3A_17] : memref<1600000x16xf32, #tpu.memory_space<hbm>> -> memref<800x16xf32, #tpu.memory_space<hbm>>
    tpu.enqueue_dma source(%dma_start3A_18 : memref<800x16xf32, #tpu.memory_space<hbm>>) target(%arg7 : memref<800x16xf32, #tpu.memory_space<vmem>>) target_semaphore(%arg11 : memref<!tpu.dma_semaphore, #tpu.memory_space<semaphore_mem>>)
    %add3A_19 = arith.constant 0 : i32
    %add3A_20 = arith.addi %mul3A_13, %add3A_19 : i32
    %dma_start3A_21 = tpu.memref_slice %arg3[%sub3A_14, %add3A_20] : memref<2x1600000xi32, #tpu.memory_space<hbm>> -> memref<1x800xi32, #tpu.memory_space<hbm>>
    %dma_start3A_22 = tpu.memref_squeeze %dma_start3A_21 : memref<1x800xi32, #tpu.memory_space<hbm>> -> memref<800xi32, #tpu.memory_space<hbm>>
    %dma_start3A_23 = tpu.memref_slice %arg3[%sub3A_14, %add3A_20] : memref<2x1600000xi32, #tpu.memory_space<hbm>> -> memref<1x800xi32, #tpu.memory_space<hbm>>
    %dma_start3A_24 = tpu.memref_squeeze %dma_start3A_23 : memref<1x800xi32, #tpu.memory_space<hbm>> -> memref<800xi32, #tpu.memory_space<hbm>>
    tpu.enqueue_dma source(%dma_start3A_24 : memref<800xi32, #tpu.memory_space<hbm>>) target(%arg9 : memref<800xi32, #tpu.memory_space<vmem>>) target_semaphore(%arg11 : memref<!tpu.dma_semaphore, #tpu.memory_space<semaphore_mem>>)
    %scan3A_25 = arith.constant 0 : i32
    %scan3A_26 = arith.constant 0 : i32
    %scan3A_27 = arith.constant 62 : i32
    %scan3A_28 = arith.addi %scan3A_26, %scan3A_27 : i32
    %scan3A_29 = arith.constant 1 : i32
    scf.for %scan3A_53 = %scan3A_26 to %scan3A_28 step %scan3A_29  : i32 {
      %mul3A_54 = arith.constant 2 : i32
      %mul3A_55 = arith.muli %mul3A_54, %scan3A_53 : i32
      %add3A_56 = arith.constant 1 : i32
      %add3A_57 = arith.addi %mul3A_55, %add3A_56 : i32
      %mul3A_58 = arith.constant 800 : i32
      %mul3A_59 = arith.muli %add3A_57, %mul3A_58 : i32
      %add3A_60 = arith.addi %mul3A_13, %mul3A_59 : i32
      %dma_start3A_61 = arith.constant 0 : i32
      %dma_start3A_62 = tpu.memref_slice %arg2[%add3A_60, %dma_start3A_61] : memref<1600000x16xf32, #tpu.memory_space<hbm>> -> memref<800x16xf32, #tpu.memory_space<hbm>>
      %dma_start3A_63 = arith.constant 0 : i32
      %dma_start3A_64 = tpu.memref_slice %arg2[%add3A_60, %dma_start3A_63] : memref<1600000x16xf32, #tpu.memory_space<hbm>> -> memref<800x16xf32, #tpu.memory_space<hbm>>
      tpu.enqueue_dma source(%dma_start3A_64 : memref<800x16xf32, #tpu.memory_space<hbm>>) target(%arg8 : memref<800x16xf32, #tpu.memory_space<vmem>>) target_semaphore(%arg12 : memref<!tpu.dma_semaphore, #tpu.memory_space<semaphore_mem>>)
      %mul3A_65 = arith.constant 800 : i32
      %mul3A_66 = arith.muli %add3A_57, %mul3A_65 : i32
      %add3A_67 = arith.addi %mul3A_13, %mul3A_66 : i32
      %dma_start3A_68 = tpu.memref_slice %arg3[%sub3A_14, %add3A_67] : memref<2x1600000xi32, #tpu.memory_space<hbm>> -> memref<1x800xi32, #tpu.memory_space<hbm>>
      %dma_start3A_69 = tpu.memref_squeeze %dma_start3A_68 : memref<1x800xi32, #tpu.memory_space<hbm>> -> memref<800xi32, #tpu.memory_space<hbm>>
      %dma_start3A_70 = tpu.memref_slice %arg3[%sub3A_14, %add3A_67] : memref<2x1600000xi32, #tpu.memory_space<hbm>> -> memref<1x800xi32, #tpu.memory_space<hbm>>
      %dma_start3A_71 = tpu.memref_squeeze %dma_start3A_70 : memref<1x800xi32, #tpu.memory_space<hbm>> -> memref<800xi32, #tpu.memory_space<hbm>>
      tpu.enqueue_dma source(%dma_start3A_71 : memref<800xi32, #tpu.memory_space<hbm>>) target(%arg10 : memref<800xi32, #tpu.memory_space<vmem>>) target_semaphore(%arg12 : memref<!tpu.dma_semaphore, #tpu.memory_space<semaphore_mem>>)
      %dma_wait3A_72 = arith.constant 0 : i32
      %dma_wait3A_73 = arith.constant 0 : i32
      %dma_wait3A_74 = tpu.memref_slice %arg2[%dma_wait3A_72, %dma_wait3A_73] : memref<1600000x16xf32, #tpu.memory_space<hbm>> -> memref<800x16xf32, #tpu.memory_space<hbm>>
      %dma_wait3A_75 = arith.constant 0 : i32
      %dma_wait3A_76 = arith.constant 0 : i32
      %dma_wait3A_77 = tpu.memref_slice %arg2[%dma_wait3A_75, %dma_wait3A_76] : memref<1600000x16xf32, #tpu.memory_space<hbm>> -> memref<800x16xf32, #tpu.memory_space<hbm>>
      tpu.wait_dma2 semaphore(%arg11 : memref<!tpu.dma_semaphore, #tpu.memory_space<semaphore_mem>>) src(%dma_wait3A_77 : memref<800x16xf32, #tpu.memory_space<hbm>>) dst(%arg7 : memref<800x16xf32, #tpu.memory_space<vmem>>)
      %dma_wait3A_78 = arith.constant 0 : i32
      %dma_wait3A_79 = arith.constant 0 : i32
      %dma_wait3A_80 = tpu.memref_slice %arg3[%dma_wait3A_78, %dma_wait3A_79] : memref<2x1600000xi32, #tpu.memory_space<hbm>> -> memref<1x800xi32, #tpu.memory_space<hbm>>
      %dma_wait3A_81 = tpu.memref_squeeze %dma_wait3A_80 : memref<1x800xi32, #tpu.memory_space<hbm>> -> memref<800xi32, #tpu.memory_space<hbm>>
      %dma_wait3A_82 = arith.constant 0 : i32
      %dma_wait3A_83 = tpu.memref_slice %arg3[%dma_wait3A_78, %dma_wait3A_82] : memref<2x1600000xi32, #tpu.memory_space<hbm>> -> memref<1x800xi32, #tpu.memory_space<hbm>>
      %dma_wait3A_84 = tpu.memref_squeeze %dma_wait3A_83 : memref<1x800xi32, #tpu.memory_space<hbm>> -> memref<800xi32, #tpu.memory_space<hbm>>
      tpu.wait_dma2 semaphore(%arg11 : memref<!tpu.dma_semaphore, #tpu.memory_space<semaphore_mem>>) src(%dma_wait3A_84 : memref<800xi32, #tpu.memory_space<hbm>>) dst(%arg9 : memref<800xi32, #tpu.memory_space<vmem>>)
      "tpu.region"() ({
        %run_scoped3A = tpu.sem_alloc : memref<!tpu.dma_semaphore, #tpu.memory_space<semaphore_mem>>
        %dma_start3A_114 = arith.constant 0 : i32
        %dma_start3A_115 = arith.constant 0 : i32
        %dma_start3A_116 = tpu.memref_slice %arg7[%dma_start3A_114, %dma_start3A_115] : memref<800x16xf32, #tpu.memory_space<vmem>> -> memref<80x16xf32, #tpu.memory_space<vmem>>
        %dma_start3A_117 = arith.constant 0 : i32
        %dma_start3A_118 = tpu.memref_slice %arg9[%dma_start3A_117] : memref<800xi32, #tpu.memory_space<vmem>> -> memref<80xi32, #tpu.memory_space<vmem>>
        %dma_start3A_119 = arith.constant 0 : i32
        %dma_start3A_120 = arith.constant 0 : i32
        %dma_start3A_121 = tpu.memref_slice %arg6[%dma_start3A_119, %dma_start3A_120] : memref<100352x16xf32, #tpu.memory_space<vmem_shared>> -> memref<100352x16xf32, #tpu.memory_space<vmem_shared>>
        tpu.enqueue_indirect_dma source(%dma_start3A_116 : memref<80x16xf32, #tpu.memory_space<vmem>>) target(%dma_start3A_121 : memref<100352x16xf32, #tpu.memory_space<vmem_shared>>) offsets(%dma_start3A_118 : memref<80xi32, #tpu.memory_space<vmem>>) semaphore(%run_scoped3A : memref<!tpu.dma_semaphore, #tpu.memory_space<semaphore_mem>>) {add = true}
        %dma_wait3A_122 = arith.constant 0 : i32
        %dma_wait3A_123 = arith.constant 0 : i32
        %dma_wait3A_124 = tpu.memref_slice %arg7[%dma_wait3A_122, %dma_wait3A_123] : memref<800x16xf32, #tpu.memory_space<vmem>> -> memref<80x16xf32, #tpu.memory_space<vmem>>
        %dma_wait3A_125 = arith.constant 0 : i32
        %dma_wait3A_126 = tpu.memref_slice %arg9[%dma_wait3A_125] : memref<800xi32, #tpu.memory_space<vmem>> -> memref<80xi32, #tpu.memory_space<vmem>>
        %dma_wait3A_127 = arith.constant 0 : i32
        %dma_wait3A_128 = arith.constant 0 : i32
        %dma_wait3A_129 = tpu.memref_slice %arg6[%dma_wait3A_127, %dma_wait3A_128] : memref<100352x16xf32, #tpu.memory_space<vmem_shared>> -> memref<100352x16xf32, #tpu.memory_space<vmem_shared>>
        tpu.wait_indirect_dma semaphore(%run_scoped3A : memref<!tpu.dma_semaphore, #tpu.memory_space<semaphore_mem>>) src(%dma_wait3A_124 : memref<80x16xf32, #tpu.memory_space<vmem>>) dst(%dma_wait3A_129 : memref<100352x16xf32, #tpu.memory_space<vmem_shared>>)
        tpu.yield
      }) : () -> ()
      "tpu.region"() ({
        %run_scoped3A = tpu.sem_alloc : memref<!tpu.dma_semaphore, #tpu.memory_space<semaphore_mem>>
        %dma_start3A_114 = arith.constant 80 : i32
        %dma_start3A_115 = arith.constant 0 : i32
        %dma_start3A_116 = tpu.memref_slice %arg7[%dma_start3A_114, %dma_start3A_115] : memref<800x16xf32, #tpu.memory_space<vmem>> -> memref<80x16xf32, #tpu.memory_space<vmem>>
        %dma_start3A_117 = arith.constant 80 : i32
        %dma_start3A_118 = tpu.memref_slice %arg9[%dma_start3A_117] : memref<800xi32, #tpu.memory_space<vmem>> -> memref<80xi32, #tpu.memory_space<vmem>>
        %dma_start3A_119 = arith.constant 0 : i32
        %dma_start3A_120 = arith.constant 0 : i32
        %dma_start3A_121 = tpu.memref_slice %arg6[%dma_start3A_119, %dma_start3A_120] : memref<100352x16xf32, #tpu.memory_space<vmem_shared>> -> memref<100352x16xf32, #tpu.memory_space<vmem_shared>>
        tpu.enqueue_indirect_dma source(%dma_start3A_116 : memref<80x16xf32, #tpu.memory_space<vmem>>) target(%dma_start3A_121 : memref<100352x16xf32, #tpu.memory_space<vmem_shared>>) offsets(%dma_start3A_118 : memref<80xi32, #tpu.memory_space<vmem>>) semaphore(%run_scoped3A : memref<!tpu.dma_semaphore, #tpu.memory_space<semaphore_mem>>) {add = true}
        %dma_wait3A_122 = arith.constant 80 : i32
        %dma_wait3A_123 = arith.constant 0 : i32
        %dma_wait3A_124 = tpu.memref_slice %arg7[%dma_wait3A_122, %dma_wait3A_123] : memref<800x16xf32, #tpu.memory_space<vmem>> -> memref<80x16xf32, #tpu.memory_space<vmem>>
        %dma_wait3A_125 = arith.constant 80 : i32
        %dma_wait3A_126 = tpu.memref_slice %arg9[%dma_wait3A_125] : memref<800xi32, #tpu.memory_space<vmem>> -> memref<80xi32, #tpu.memory_space<vmem>>
        %dma_wait3A_127 = arith.constant 0 : i32
        %dma_wait3A_128 = arith.constant 0 : i32
        %dma_wait3A_129 = tpu.memref_slice %arg6[%dma_wait3A_127, %dma_wait3A_128] : memref<100352x16xf32, #tpu.memory_space<vmem_shared>> -> memref<100352x16xf32, #tpu.memory_space<vmem_shared>>
        tpu.wait_indirect_dma semaphore(%run_scoped3A : memref<!tpu.dma_semaphore, #tpu.memory_space<semaphore_mem>>) src(%dma_wait3A_124 : memref<80x16xf32, #tpu.memory_space<vmem>>) dst(%dma_wait3A_129 : memref<100352x16xf32, #tpu.memory_space<vmem_shared>>)
        tpu.yield
      }) : () -> ()
      "tpu.region"() ({
        %run_scoped3A = tpu.sem_alloc : memref<!tpu.dma_semaphore, #tpu.memory_space<semaphore_mem>>
        %dma_start3A_114 = arith.constant 160 : i32
        %dma_start3A_115 = arith.constant 0 : i32
        %dma_start3A_116 = tpu.memref_slice %arg7[%dma_start3A_114, %dma_start3A_115] : memref<800x16xf32, #tpu.memory_space<vmem>> -> memref<80x16xf32, #tpu.memory_space<vmem>>
        %dma_start3A_117 = arith.constant 160 : i32
        %dma_start3A_118 = tpu.memref_slice %arg9[%dma_start3A_117] : memref<800xi32, #tpu.memory_space<vmem>> -> memref<80xi32, #tpu.memory_space<vmem>>
        %dma_start3A_119 = arith.constant 0 : i32
        %dma_start3A_120 = arith.constant 0 : i32
        %dma_start3A_121 = tpu.memref_slice %arg6[%dma_start3A_119, %dma_start3A_120] : memref<100352x16xf32, #tpu.memory_space<vmem_shared>> -> memref<100352x16xf32, #tpu.memory_space<vmem_shared>>
        tpu.enqueue_indirect_dma source(%dma_start3A_116 : memref<80x16xf32, #tpu.memory_space<vmem>>) target(%dma_start3A_121 : memref<100352x16xf32, #tpu.memory_space<vmem_shared>>) offsets(%dma_start3A_118 : memref<80xi32, #tpu.memory_space<vmem>>) semaphore(%run_scoped3A : memref<!tpu.dma_semaphore, #tpu.memory_space<semaphore_mem>>) {add = true}
        %dma_wait3A_122 = arith.constant 160 : i32
        %dma_wait3A_123 = arith.constant 0 : i32
        %dma_wait3A_124 = tpu.memref_slice %arg7[%dma_wait3A_122, %dma_wait3A_123] : memref<800x16xf32, #tpu.memory_space<vmem>> -> memref<80x16xf32, #tpu.memory_space<vmem>>
        %dma_wait3A_125 = arith.constant 160 : i32
        %dma_wait3A_126 = tpu.memref_slice %arg9[%dma_wait3A_125] : memref<800xi32, #tpu.memory_space<vmem>> -> memref<80xi32, #tpu.memory_space<vmem>>
        %dma_wait3A_127 = arith.constant 0 : i32
        %dma_wait3A_128 = arith.constant 0 : i32
        %dma_wait3A_129 = tpu.memref_slice %arg6[%dma_wait3A_127, %dma_wait3A_128] : memref<100352x16xf32, #tpu.memory_space<vmem_shared>> -> memref<100352x16xf32, #tpu.memory_space<vmem_shared>>
        tpu.wait_indirect_dma semaphore(%run_scoped3A : memref<!tpu.dma_semaphore, #tpu.memory_space<semaphore_mem>>) src(%dma_wait3A_124 : memref<80x16xf32, #tpu.memory_space<vmem>>) dst(%dma_wait3A_129 : memref<100352x16xf32, #tpu.memory_space<vmem_shared>>)
        tpu.yield
      }) : () -> ()
      "tpu.region"() ({
        %run_scoped3A = tpu.sem_alloc : memref<!tpu.dma_semaphore, #tpu.memory_space<semaphore_mem>>
        %dma_start3A_114 = arith.constant 240 : i32
        %dma_start3A_115 = arith.constant 0 : i32
        %dma_start3A_116 = tpu.memref_slice %arg7[%dma_start3A_114, %dma_start3A_115] : memref<800x16xf32, #tpu.memory_space<vmem>> -> memref<80x16xf32, #tpu.memory_space<vmem>>
        %dma_start3A_117 = arith.constant 240 : i32
        %dma_start3A_118 = tpu.memref_slice %arg9[%dma_start3A_117] : memref<800xi32, #tpu.memory_space<vmem>> -> memref<80xi32, #tpu.memory_space<vmem>>
        %dma_start3A_119 = arith.constant 0 : i32
        %dma_start3A_120 = arith.constant 0 : i32
        %dma_start3A_121 = tpu.memref_slice %arg6[%dma_start3A_119, %dma_start3A_120] : memref<100352x16xf32, #tpu.memory_space<vmem_shared>> -> memref<100352x16xf32, #tpu.memory_space<vmem_shared>>
        tpu.enqueue_indirect_dma source(%dma_start3A_116 : memref<80x16xf32, #tpu.memory_space<vmem>>) target(%dma_start3A_121 : memref<100352x16xf32, #tpu.memory_space<vmem_shared>>) offsets(%dma_start3A_118 : memref<80xi32, #tpu.memory_space<vmem>>) semaphore(%run_scoped3A : memref<!tpu.dma_semaphore, #tpu.memory_space<semaphore_mem>>) {add = true}
        %dma_wait3A_122 = arith.constant 240 : i32
        %dma_wait3A_123 = arith.constant 0 : i32
        %dma_wait3A_124 = tpu.memref_slice %arg7[%dma_wait3A_122, %dma_wait3A_123] : memref<800x16xf32, #tpu.memory_space<vmem>> -> memref<80x16xf32, #tpu.memory_space<vmem>>
        %dma_wait3A_125 = arith.constant 240 : i32
        %dma_wait3A_126 = tpu.memref_slice %arg9[%dma_wait3A_125] : memref<800xi32, #tpu.memory_space<vmem>> -> memref<80xi32, #tpu.memory_space<vmem>>
        %dma_wait3A_127 = arith.constant 0 : i32
        %dma_wait3A_128 = arith.constant 0 : i32
        %dma_wait3A_129 = tpu.memref_slice %arg6[%dma_wait3A_127, %dma_wait3A_128] : memref<100352x16xf32, #tpu.memory_space<vmem_shared>> -> memref<100352x16xf32, #tpu.memory_space<vmem_shared>>
        tpu.wait_indirect_dma semaphore(%run_scoped3A : memref<!tpu.dma_semaphore, #tpu.memory_space<semaphore_mem>>) src(%dma_wait3A_124 : memref<80x16xf32, #tpu.memory_space<vmem>>) dst(%dma_wait3A_129 : memref<100352x16xf32, #tpu.memory_space<vmem_shared>>)
        tpu.yield
      }) : () -> ()
      "tpu.region"() ({
        %run_scoped3A = tpu.sem_alloc : memref<!tpu.dma_semaphore, #tpu.memory_space<semaphore_mem>>
        %dma_start3A_114 = arith.constant 320 : i32
        %dma_start3A_115 = arith.constant 0 : i32
        %dma_start3A_116 = tpu.memref_slice %arg7[%dma_start3A_114, %dma_start3A_115] : memref<800x16xf32, #tpu.memory_space<vmem>> -> memref<80x16xf32, #tpu.memory_space<vmem>>
        %dma_start3A_117 = arith.constant 320 : i32
        %dma_start3A_118 = tpu.memref_slice %arg9[%dma_start3A_117] : memref<800xi32, #tpu.memory_space<vmem>> -> memref<80xi32, #tpu.memory_space<vmem>>
        %dma_start3A_119 = arith.constant 0 : i32
        %dma_start3A_120 = arith.constant 0 : i32
        %dma_start3A_121 = tpu.memref_slice %arg6[%dma_start3A_119, %dma_start3A_120] : memref<100352x16xf32, #tpu.memory_space<vmem_shared>> -> memref<100352x16xf32, #tpu.memory_space<vmem_shared>>
        tpu.enqueue_indirect_dma source(%dma_start3A_116 : memref<80x16xf32, #tpu.memory_space<vmem>>) target(%dma_start3A_121 : memref<100352x16xf32, #tpu.memory_space<vmem_shared>>) offsets(%dma_start3A_118 : memref<80xi32, #tpu.memory_space<vmem>>) semaphore(%run_scoped3A : memref<!tpu.dma_semaphore, #tpu.memory_space<semaphore_mem>>) {add = true}
        %dma_wait3A_122 = arith.constant 320 : i32
        %dma_wait3A_123 = arith.constant 0 : i32
        %dma_wait3A_124 = tpu.memref_slice %arg7[%dma_wait3A_122, %dma_wait3A_123] : memref<800x16xf32, #tpu.memory_space<vmem>> -> memref<80x16xf32, #tpu.memory_space<vmem>>
        %dma_wait3A_125 = arith.constant 320 : i32
        %dma_wait3A_126 = tpu.memref_slice %arg9[%dma_wait3A_125] : memref<800xi32, #tpu.memory_space<vmem>> -> memref<80xi32, #tpu.memory_space<vmem>>
        %dma_wait3A_127 = arith.constant 0 : i32
        %dma_wait3A_128 = arith.constant 0 : i32
        %dma_wait3A_129 = tpu.memref_slice %arg6[%dma_wait3A_127, %dma_wait3A_128] : memref<100352x16xf32, #tpu.memory_space<vmem_shared>> -> memref<100352x16xf32, #tpu.memory_space<vmem_shared>>
        tpu.wait_indirect_dma semaphore(%run_scoped3A : memref<!tpu.dma_semaphore, #tpu.memory_space<semaphore_mem>>) src(%dma_wait3A_124 : memref<80x16xf32, #tpu.memory_space<vmem>>) dst(%dma_wait3A_129 : memref<100352x16xf32, #tpu.memory_space<vmem_shared>>)
        tpu.yield
      }) : () -> ()
      "tpu.region"() ({
        %run_scoped3A = tpu.sem_alloc : memref<!tpu.dma_semaphore, #tpu.memory_space<semaphore_mem>>
        %dma_start3A_114 = arith.constant 400 : i32
        %dma_start3A_115 = arith.constant 0 : i32
        %dma_start3A_116 = tpu.memref_slice %arg7[%dma_start3A_114, %dma_start3A_115] : memref<800x16xf32, #tpu.memory_space<vmem>> -> memref<80x16xf32, #tpu.memory_space<vmem>>
        %dma_start3A_117 = arith.constant 400 : i32
        %dma_start3A_118 = tpu.memref_slice %arg9[%dma_start3A_117] : memref<800xi32, #tpu.memory_space<vmem>> -> memref<80xi32, #tpu.memory_space<vmem>>
        %dma_start3A_119 = arith.constant 0 : i32
        %dma_start3A_120 = arith.constant 0 : i32
        %dma_start3A_121 = tpu.memref_slice %arg6[%dma_start3A_119, %dma_start3A_120] : memref<100352x16xf32, #tpu.memory_space<vmem_shared>> -> memref<100352x16xf32, #tpu.memory_space<vmem_shared>>
        tpu.enqueue_indirect_dma source(%dma_start3A_116 : memref<80x16xf32, #tpu.memory_space<vmem>>) target(%dma_start3A_121 : memref<100352x16xf32, #tpu.memory_space<vmem_shared>>) offsets(%dma_start3A_118 : memref<80xi32, #tpu.memory_space<vmem>>) semaphore(%run_scoped3A : memref<!tpu.dma_semaphore, #tpu.memory_space<semaphore_mem>>) {add = true}
        %dma_wait3A_122 = arith.constant 400 : i32
        %dma_wait3A_123 = arith.constant 0 : i32
        %dma_wait3A_124 = tpu.memref_slice %arg7[%dma_wait3A_122, %dma_wait3A_123] : memref<800x16xf32, #tpu.memory_space<vmem>> -> memref<80x16xf32, #tpu.memory_space<vmem>>
        %dma_wait3A_125 = arith.constant 400 : i32
        %dma_wait3A_126 = tpu.memref_slice %arg9[%dma_wait3A_125] : memref<800xi32, #tpu.memory_space<vmem>> -> memref<80xi32, #tpu.memory_space<vmem>>
        %dma_wait3A_127 = arith.constant 0 : i32
        %dma_wait3A_128 = arith.constant 0 : i32
        %dma_wait3A_129 = tpu.memref_slice %arg6[%dma_wait3A_127, %dma_wait3A_128] : memref<100352x16xf32, #tpu.memory_space<vmem_shared>> -> memref<100352x16xf32, #tpu.memory_space<vmem_shared>>
        tpu.wait_indirect_dma semaphore(%run_scoped3A : memref<!tpu.dma_semaphore, #tpu.memory_space<semaphore_mem>>) src(%dma_wait3A_124 : memref<80x16xf32, #tpu.memory_space<vmem>>) dst(%dma_wait3A_129 : memref<100352x16xf32, #tpu.memory_space<vmem_shared>>)
        tpu.yield
      }) : () -> ()
      "tpu.region"() ({
        %run_scoped3A = tpu.sem_alloc : memref<!tpu.dma_semaphore, #tpu.memory_space<semaphore_mem>>
        %dma_start3A_114 = arith.constant 480 : i32
        %dma_start3A_115 = arith.constant 0 : i32
        %dma_start3A_116 = tpu.memref_slice %arg7[%dma_start3A_114, %dma_start3A_115] : memref<800x16xf32, #tpu.memory_space<vmem>> -> memref<80x16xf32, #tpu.memory_space<vmem>>
        %dma_start3A_117 = arith.constant 480 : i32
        %dma_start3A_118 = tpu.memref_slice %arg9[%dma_start3A_117] : memref<800xi32, #tpu.memory_space<vmem>> -> memref<80xi32, #tpu.memory_space<vmem>>
        %dma_start3A_119 = arith.constant 0 : i32
        %dma_start3A_120 = arith.constant 0 : i32
        %dma_start3A_121 = tpu.memref_slice %arg6[%dma_start3A_119, %dma_start3A_120] : memref<100352x16xf32, #tpu.memory_space<vmem_shared>> -> memref<100352x16xf32, #tpu.memory_space<vmem_shared>>
        tpu.enqueue_indirect_dma source(%dma_start3A_116 : memref<80x16xf32, #tpu.memory_space<vmem>>) target(%dma_start3A_121 : memref<100352x16xf32, #tpu.memory_space<vmem_shared>>) offsets(%dma_start3A_118 : memref<80xi32, #tpu.memory_space<vmem>>) semaphore(%run_scoped3A : memref<!tpu.dma_semaphore, #tpu.memory_space<semaphore_mem>>) {add = true}
        %dma_wait3A_122 = arith.constant 480 : i32
        %dma_wait3A_123 = arith.constant 0 : i32
        %dma_wait3A_124 = tpu.memref_slice %arg7[%dma_wait3A_122, %dma_wait3A_123] : memref<800x16xf32, #tpu.memory_space<vmem>> -> memref<80x16xf32, #tpu.memory_space<vmem>>
        %dma_wait3A_125 = arith.constant 480 : i32
        %dma_wait3A_126 = tpu.memref_slice %arg9[%dma_wait3A_125] : memref<800xi32, #tpu.memory_space<vmem>> -> memref<80xi32, #tpu.memory_space<vmem>>
        %dma_wait3A_127 = arith.constant 0 : i32
        %dma_wait3A_128 = arith.constant 0 : i32
        %dma_wait3A_129 = tpu.memref_slice %arg6[%dma_wait3A_127, %dma_wait3A_128] : memref<100352x16xf32, #tpu.memory_space<vmem_shared>> -> memref<100352x16xf32, #tpu.memory_space<vmem_shared>>
        tpu.wait_indirect_dma semaphore(%run_scoped3A : memref<!tpu.dma_semaphore, #tpu.memory_space<semaphore_mem>>) src(%dma_wait3A_124 : memref<80x16xf32, #tpu.memory_space<vmem>>) dst(%dma_wait3A_129 : memref<100352x16xf32, #tpu.memory_space<vmem_shared>>)
        tpu.yield
      }) : () -> ()
      "tpu.region"() ({
        %run_scoped3A = tpu.sem_alloc : memref<!tpu.dma_semaphore, #tpu.memory_space<semaphore_mem>>
        %dma_start3A_114 = arith.constant 560 : i32
        %dma_start3A_115 = arith.constant 0 : i32
        %dma_start3A_116 = tpu.memref_slice %arg7[%dma_start3A_114, %dma_start3A_115] : memref<800x16xf32, #tpu.memory_space<vmem>> -> memref<80x16xf32, #tpu.memory_space<vmem>>
        %dma_start3A_117 = arith.constant 560 : i32
        %dma_start3A_118 = tpu.memref_slice %arg9[%dma_start3A_117] : memref<800xi32, #tpu.memory_space<vmem>> -> memref<80xi32, #tpu.memory_space<vmem>>
        %dma_start3A_119 = arith.constant 0 : i32
        %dma_start3A_120 = arith.constant 0 : i32
        %dma_start3A_121 = tpu.memref_slice %arg6[%dma_start3A_119, %dma_start3A_120] : memref<100352x16xf32, #tpu.memory_space<vmem_shared>> -> memref<100352x16xf32, #tpu.memory_space<vmem_shared>>
        tpu.enqueue_indirect_dma source(%dma_start3A_116 : memref<80x16xf32, #tpu.memory_space<vmem>>) target(%dma_start3A_121 : memref<100352x16xf32, #tpu.memory_space<vmem_shared>>) offsets(%dma_start3A_118 : memref<80xi32, #tpu.memory_space<vmem>>) semaphore(%run_scoped3A : memref<!tpu.dma_semaphore, #tpu.memory_space<semaphore_mem>>) {add = true}
        %dma_wait3A_122 = arith.constant 560 : i32
        %dma_wait3A_123 = arith.constant 0 : i32
        %dma_wait3A_124 = tpu.memref_slice %arg7[%dma_wait3A_122, %dma_wait3A_123] : memref<800x16xf32, #tpu.memory_space<vmem>> -> memref<80x16xf32, #tpu.memory_space<vmem>>
        %dma_wait3A_125 = arith.constant 560 : i32
        %dma_wait3A_126 = tpu.memref_slice %arg9[%dma_wait3A_125] : memref<800xi32, #tpu.memory_space<vmem>> -> memref<80xi32, #tpu.memory_space<vmem>>
        %dma_wait3A_127 = arith.constant 0 : i32
        %dma_wait3A_128 = arith.constant 0 : i32
        %dma_wait3A_129 = tpu.memref_slice %arg6[%dma_wait3A_127, %dma_wait3A_128] : memref<100352x16xf32, #tpu.memory_space<vmem_shared>> -> memref<100352x16xf32, #tpu.memory_space<vmem_shared>>
        tpu.wait_indirect_dma semaphore(%run_scoped3A : memref<!tpu.dma_semaphore, #tpu.memory_space<semaphore_mem>>) src(%dma_wait3A_124 : memref<80x16xf32, #tpu.memory_space<vmem>>) dst(%dma_wait3A_129 : memref<100352x16xf32, #tpu.memory_space<vmem_shared>>)
        tpu.yield
      }) : () -> ()
      "tpu.region"() ({
        %run_scoped3A = tpu.sem_alloc : memref<!tpu.dma_semaphore, #tpu.memory_space<semaphore_mem>>
        %dma_start3A_114 = arith.constant 640 : i32
        %dma_start3A_115 = arith.constant 0 : i32
        %dma_start3A_116 = tpu.memref_slice %arg7[%dma_start3A_114, %dma_start3A_115] : memref<800x16xf32, #tpu.memory_space<vmem>> -> memref<80x16xf32, #tpu.memory_space<vmem>>
        %dma_start3A_117 = arith.constant 640 : i32
        %dma_start3A_118 = tpu.memref_slice %arg9[%dma_start3A_117] : memref<800xi32, #tpu.memory_space<vmem>> -> memref<80xi32, #tpu.memory_space<vmem>>
        %dma_start3A_119 = arith.constant 0 : i32
        %dma_start3A_120 = arith.constant 0 : i32
        %dma_start3A_121 = tpu.memref_slice %arg6[%dma_start3A_119, %dma_start3A_120] : memref<100352x16xf32, #tpu.memory_space<vmem_shared>> -> memref<100352x16xf32, #tpu.memory_space<vmem_shared>>
        tpu.enqueue_indirect_dma source(%dma_start3A_116 : memref<80x16xf32, #tpu.memory_space<vmem>>) target(%dma_start3A_121 : memref<100352x16xf32, #tpu.memory_space<vmem_shared>>) offsets(%dma_start3A_118 : memref<80xi32, #tpu.memory_space<vmem>>) semaphore(%run_scoped3A : memref<!tpu.dma_semaphore, #tpu.memory_space<semaphore_mem>>) {add = true}
        %dma_wait3A_122 = arith.constant 640 : i32
        %dma_wait3A_123 = arith.constant 0 : i32
        %dma_wait3A_124 = tpu.memref_slice %arg7[%dma_wait3A_122, %dma_wait3A_123] : memref<800x16xf32, #tpu.memory_space<vmem>> -> memref<80x16xf32, #tpu.memory_space<vmem>>
        %dma_wait3A_125 = arith.constant 640 : i32
        %dma_wait3A_126 = tpu.memref_slice %arg9[%dma_wait3A_125] : memref<800xi32, #tpu.memory_space<vmem>> -> memref<80xi32, #tpu.memory_space<vmem>>
        %dma_wait3A_127 = arith.constant 0 : i32
        %dma_wait3A_128 = arith.constant 0 : i32
        %dma_wait3A_129 = tpu.memref_slice %arg6[%dma_wait3A_127, %dma_wait3A_128] : memref<100352x16xf32, #tpu.memory_space<vmem_shared>> -> memref<100352x16xf32, #tpu.memory_space<vmem_shared>>
        tpu.wait_indirect_dma semaphore(%run_scoped3A : memref<!tpu.dma_semaphore, #tpu.memory_space<semaphore_mem>>) src(%dma_wait3A_124 : memref<80x16xf32, #tpu.memory_space<vmem>>) dst(%dma_wait3A_129 : memref<100352x16xf32, #tpu.memory_space<vmem_shared>>)
        tpu.yield
      }) : () -> ()
      "tpu.region"() ({
        %run_scoped3A = tpu.sem_alloc : memref<!tpu.dma_semaphore, #tpu.memory_space<semaphore_mem>>
        %dma_start3A_114 = arith.constant 720 : i32
        %dma_start3A_115 = arith.constant 0 : i32
        %dma_start3A_116 = tpu.memref_slice %arg7[%dma_start3A_114, %dma_start3A_115] : memref<800x16xf32, #tpu.memory_space<vmem>> -> memref<80x16xf32, #tpu.memory_space<vmem>>
        %dma_start3A_117 = arith.constant 720 : i32
        %dma_start3A_118 = tpu.memref_slice %arg9[%dma_start3A_117] : memref<800xi32, #tpu.memory_space<vmem>> -> memref<80xi32, #tpu.memory_space<vmem>>
        %dma_start3A_119 = arith.constant 0 : i32
        %dma_start3A_120 = arith.constant 0 : i32
        %dma_start3A_121 = tpu.memref_slice %arg6[%dma_start3A_119, %dma_start3A_120] : memref<100352x16xf32, #tpu.memory_space<vmem_shared>> -> memref<100352x16xf32, #tpu.memory_space<vmem_shared>>
        tpu.enqueue_indirect_dma source(%dma_start3A_116 : memref<80x16xf32, #tpu.memory_space<vmem>>) target(%dma_start3A_121 : memref<100352x16xf32, #tpu.memory_space<vmem_shared>>) offsets(%dma_start3A_118 : memref<80xi32, #tpu.memory_space<vmem>>) semaphore(%run_scoped3A : memref<!tpu.dma_semaphore, #tpu.memory_space<semaphore_mem>>) {add = true}
        %dma_wait3A_122 = arith.constant 720 : i32
        %dma_wait3A_123 = arith.constant 0 : i32
        %dma_wait3A_124 = tpu.memref_slice %arg7[%dma_wait3A_122, %dma_wait3A_123] : memref<800x16xf32, #tpu.memory_space<vmem>> -> memref<80x16xf32, #tpu.memory_space<vmem>>
        %dma_wait3A_125 = arith.constant 720 : i32
        %dma_wait3A_126 = tpu.memref_slice %arg9[%dma_wait3A_125] : memref<800xi32, #tpu.memory_space<vmem>> -> memref<80xi32, #tpu.memory_space<vmem>>
        %dma_wait3A_127 = arith.constant 0 : i32
        %dma_wait3A_128 = arith.constant 0 : i32
        %dma_wait3A_129 = tpu.memref_slice %arg6[%dma_wait3A_127, %dma_wait3A_128] : memref<100352x16xf32, #tpu.memory_space<vmem_shared>> -> memref<100352x16xf32, #tpu.memory_space<vmem_shared>>
        tpu.wait_indirect_dma semaphore(%run_scoped3A : memref<!tpu.dma_semaphore, #tpu.memory_space<semaphore_mem>>) src(%dma_wait3A_124 : memref<80x16xf32, #tpu.memory_space<vmem>>) dst(%dma_wait3A_129 : memref<100352x16xf32, #tpu.memory_space<vmem_shared>>)
        tpu.yield
      }) : () -> ()
      %add3A_85 = arith.constant 2 : i32
      %add3A_86 = arith.addi %mul3A_55, %add3A_85 : i32
      %mul3A_87 = arith.constant 800 : i32
      %mul3A_88 = arith.muli %add3A_86, %mul3A_87 : i32
      %add3A_89 = arith.addi %mul3A_13, %mul3A_88 : i32
      %dma_start3A_90 = arith.constant 0 : i32
      %dma_start3A_91 = tpu.memref_slice %arg2[%add3A_89, %dma_start3A_90] : memref<1600000x16xf32, #tpu.memory_space<hbm>> -> memref<800x16xf32, #tpu.memory_space<hbm>>
      %dma_start3A_92 = arith.constant 0 : i32
      %dma_start3A_93 = tpu.memref_slice %arg2[%add3A_89, %dma_start3A_92] : memref<1600000x16xf32, #tpu.memory_space<hbm>> -> memref<800x16xf32, #tpu.memory_space<hbm>>
      tpu.enqueue_dma source(%dma_start3A_93 : memref<800x16xf32, #tpu.memory_space<hbm>>) target(%arg7 : memref<800x16xf32, #tpu.memory_space<vmem>>) target_semaphore(%arg11 : memref<!tpu.dma_semaphore, #tpu.memory_space<semaphore_mem>>)
      %mul3A_94 = arith.constant 800 : i32
      %mul3A_95 = arith.muli %add3A_86, %mul3A_94 : i32
      %add3A_96 = arith.addi %mul3A_13, %mul3A_95 : i32
      %dma_start3A_97 = tpu.memref_slice %arg3[%sub3A_14, %add3A_96] : memref<2x1600000xi32, #tpu.memory_space<hbm>> -> memref<1x800xi32, #tpu.memory_space<hbm>>
      %dma_start3A_98 = tpu.memref_squeeze %dma_start3A_97 : memref<1x800xi32, #tpu.memory_space<hbm>> -> memref<800xi32, #tpu.memory_space<hbm>>
      %dma_start3A_99 = tpu.memref_slice %arg3[%sub3A_14, %add3A_96] : memref<2x1600000xi32, #tpu.memory_space<hbm>> -> memref<1x800xi32, #tpu.memory_space<hbm>>
      %dma_start3A_100 = tpu.memref_squeeze %dma_start3A_99 : memref<1x800xi32, #tpu.memory_space<hbm>> -> memref<800xi32, #tpu.memory_space<hbm>>
      tpu.enqueue_dma source(%dma_start3A_100 : memref<800xi32, #tpu.memory_space<hbm>>) target(%arg9 : memref<800xi32, #tpu.memory_space<vmem>>) target_semaphore(%arg11 : memref<!tpu.dma_semaphore, #tpu.memory_space<semaphore_mem>>)
      %dma_wait3A_101 = arith.constant 0 : i32
      %dma_wait3A_102 = arith.constant 0 : i32
      %dma_wait3A_103 = tpu.memref_slice %arg2[%dma_wait3A_101, %dma_wait3A_102] : memref<1600000x16xf32, #tpu.memory_space<hbm>> -> memref<800x16xf32, #tpu.memory_space<hbm>>
      %dma_wait3A_104 = arith.constant 0 : i32
      %dma_wait3A_105 = arith.constant 0 : i32
      %dma_wait3A_106 = tpu.memref_slice %arg2[%dma_wait3A_104, %dma_wait3A_105] : memref<1600000x16xf32, #tpu.memory_space<hbm>> -> memref<800x16xf32, #tpu.memory_space<hbm>>
      tpu.wait_dma2 semaphore(%arg12 : memref<!tpu.dma_semaphore, #tpu.memory_space<semaphore_mem>>) src(%dma_wait3A_106 : memref<800x16xf32, #tpu.memory_space<hbm>>) dst(%arg8 : memref<800x16xf32, #tpu.memory_space<vmem>>)
      %dma_wait3A_107 = arith.constant 0 : i32
      %dma_wait3A_108 = arith.constant 0 : i32
      %dma_wait3A_109 = tpu.memref_slice %arg3[%dma_wait3A_107, %dma_wait3A_108] : memref<2x1600000xi32, #tpu.memory_space<hbm>> -> memref<1x800xi32, #tpu.memory_space<hbm>>
      %dma_wait3A_110 = tpu.memref_squeeze %dma_wait3A_109 : memref<1x800xi32, #tpu.memory_space<hbm>> -> memref<800xi32, #tpu.memory_space<hbm>>
      %dma_wait3A_111 = arith.constant 0 : i32
      %dma_wait3A_112 = tpu.memref_slice %arg3[%dma_wait3A_107, %dma_wait3A_111] : memref<2x1600000xi32, #tpu.memory_space<hbm>> -> memref<1x800xi32, #tpu.memory_space<hbm>>
      %dma_wait3A_113 = tpu.memref_squeeze %dma_wait3A_112 : memref<1x800xi32, #tpu.memory_space<hbm>> -> memref<800xi32, #tpu.memory_space<hbm>>
      tpu.wait_dma2 semaphore(%arg12 : memref<!tpu.dma_semaphore, #tpu.memory_space<semaphore_mem>>) src(%dma_wait3A_113 : memref<800xi32, #tpu.memory_space<hbm>>) dst(%arg10 : memref<800xi32, #tpu.memory_space<vmem>>)
      "tpu.region"() ({
        %run_scoped3A = tpu.sem_alloc : memref<!tpu.dma_semaphore, #tpu.memory_space<semaphore_mem>>
        %dma_start3A_114 = arith.constant 0 : i32
        %dma_start3A_115 = arith.constant 0 : i32
        %dma_start3A_116 = tpu.memref_slice %arg8[%dma_start3A_114, %dma_start3A_115] : memref<800x16xf32, #tpu.memory_space<vmem>> -> memref<80x16xf32, #tpu.memory_space<vmem>>
        %dma_start3A_117 = arith.constant 0 : i32
        %dma_start3A_118 = tpu.memref_slice %arg10[%dma_start3A_117] : memref<800xi32, #tpu.memory_space<vmem>> -> memref<80xi32, #tpu.memory_space<vmem>>
        %dma_start3A_119 = arith.constant 0 : i32
        %dma_start3A_120 = arith.constant 0 : i32
        %dma_start3A_121 = tpu.memref_slice %arg6[%dma_start3A_119, %dma_start3A_120] : memref<100352x16xf32, #tpu.memory_space<vmem_shared>> -> memref<100352x16xf32, #tpu.memory_space<vmem_shared>>
        tpu.enqueue_indirect_dma source(%dma_start3A_116 : memref<80x16xf32, #tpu.memory_space<vmem>>) target(%dma_start3A_121 : memref<100352x16xf32, #tpu.memory_space<vmem_shared>>) offsets(%dma_start3A_118 : memref<80xi32, #tpu.memory_space<vmem>>) semaphore(%run_scoped3A : memref<!tpu.dma_semaphore, #tpu.memory_space<semaphore_mem>>) {add = true}
        %dma_wait3A_122 = arith.constant 0 : i32
        %dma_wait3A_123 = arith.constant 0 : i32
        %dma_wait3A_124 = tpu.memref_slice %arg8[%dma_wait3A_122, %dma_wait3A_123] : memref<800x16xf32, #tpu.memory_space<vmem>> -> memref<80x16xf32, #tpu.memory_space<vmem>>
        %dma_wait3A_125 = arith.constant 0 : i32
        %dma_wait3A_126 = tpu.memref_slice %arg10[%dma_wait3A_125] : memref<800xi32, #tpu.memory_space<vmem>> -> memref<80xi32, #tpu.memory_space<vmem>>
        %dma_wait3A_127 = arith.constant 0 : i32
        %dma_wait3A_128 = arith.constant 0 : i32
        %dma_wait3A_129 = tpu.memref_slice %arg6[%dma_wait3A_127, %dma_wait3A_128] : memref<100352x16xf32, #tpu.memory_space<vmem_shared>> -> memref<100352x16xf32, #tpu.memory_space<vmem_shared>>
        tpu.wait_indirect_dma semaphore(%run_scoped3A : memref<!tpu.dma_semaphore, #tpu.memory_space<semaphore_mem>>) src(%dma_wait3A_124 : memref<80x16xf32, #tpu.memory_space<vmem>>) dst(%dma_wait3A_129 : memref<100352x16xf32, #tpu.memory_space<vmem_shared>>)
        tpu.yield
      }) : () -> ()
      "tpu.region"() ({
        %run_scoped3A = tpu.sem_alloc : memref<!tpu.dma_semaphore, #tpu.memory_space<semaphore_mem>>
        %dma_start3A_114 = arith.constant 80 : i32
        %dma_start3A_115 = arith.constant 0 : i32
        %dma_start3A_116 = tpu.memref_slice %arg8[%dma_start3A_114, %dma_start3A_115] : memref<800x16xf32, #tpu.memory_space<vmem>> -> memref<80x16xf32, #tpu.memory_space<vmem>>
        %dma_start3A_117 = arith.constant 80 : i32
        %dma_start3A_118 = tpu.memref_slice %arg10[%dma_start3A_117] : memref<800xi32, #tpu.memory_space<vmem>> -> memref<80xi32, #tpu.memory_space<vmem>>
        %dma_start3A_119 = arith.constant 0 : i32
        %dma_start3A_120 = arith.constant 0 : i32
        %dma_start3A_121 = tpu.memref_slice %arg6[%dma_start3A_119, %dma_start3A_120] : memref<100352x16xf32, #tpu.memory_space<vmem_shared>> -> memref<100352x16xf32, #tpu.memory_space<vmem_shared>>
        tpu.enqueue_indirect_dma source(%dma_start3A_116 : memref<80x16xf32, #tpu.memory_space<vmem>>) target(%dma_start3A_121 : memref<100352x16xf32, #tpu.memory_space<vmem_shared>>) offsets(%dma_start3A_118 : memref<80xi32, #tpu.memory_space<vmem>>) semaphore(%run_scoped3A : memref<!tpu.dma_semaphore, #tpu.memory_space<semaphore_mem>>) {add = true}
        %dma_wait3A_122 = arith.constant 80 : i32
        %dma_wait3A_123 = arith.constant 0 : i32
        %dma_wait3A_124 = tpu.memref_slice %arg8[%dma_wait3A_122, %dma_wait3A_123] : memref<800x16xf32, #tpu.memory_space<vmem>> -> memref<80x16xf32, #tpu.memory_space<vmem>>
        %dma_wait3A_125 = arith.constant 80 : i32
        %dma_wait3A_126 = tpu.memref_slice %arg10[%dma_wait3A_125] : memref<800xi32, #tpu.memory_space<vmem>> -> memref<80xi32, #tpu.memory_space<vmem>>
        %dma_wait3A_127 = arith.constant 0 : i32
        %dma_wait3A_128 = arith.constant 0 : i32
        %dma_wait3A_129 = tpu.memref_slice %arg6[%dma_wait3A_127, %dma_wait3A_128] : memref<100352x16xf32, #tpu.memory_space<vmem_shared>> -> memref<100352x16xf32, #tpu.memory_space<vmem_shared>>
        tpu.wait_indirect_dma semaphore(%run_scoped3A : memref<!tpu.dma_semaphore, #tpu.memory_space<semaphore_mem>>) src(%dma_wait3A_124 : memref<80x16xf32, #tpu.memory_space<vmem>>) dst(%dma_wait3A_129 : memref<100352x16xf32, #tpu.memory_space<vmem_shared>>)
        tpu.yield
      }) : () -> ()
      "tpu.region"() ({
        %run_scoped3A = tpu.sem_alloc : memref<!tpu.dma_semaphore, #tpu.memory_space<semaphore_mem>>
        %dma_start3A_114 = arith.constant 160 : i32
        %dma_start3A_115 = arith.constant 0 : i32
        %dma_start3A_116 = tpu.memref_slice %arg8[%dma_start3A_114, %dma_start3A_115] : memref<800x16xf32, #tpu.memory_space<vmem>> -> memref<80x16xf32, #tpu.memory_space<vmem>>
        %dma_start3A_117 = arith.constant 160 : i32
        %dma_start3A_118 = tpu.memref_slice %arg10[%dma_start3A_117] : memref<800xi32, #tpu.memory_space<vmem>> -> memref<80xi32, #tpu.memory_space<vmem>>
        %dma_start3A_119 = arith.constant 0 : i32
        %dma_start3A_120 = arith.constant 0 : i32
        %dma_start3A_121 = tpu.memref_slice %arg6[%dma_start3A_119, %dma_start3A_120] : memref<100352x16xf32, #tpu.memory_space<vmem_shared>> -> memref<100352x16xf32, #tpu.memory_space<vmem_shared>>
        tpu.enqueue_indirect_dma source(%dma_start3A_116 : memref<80x16xf32, #tpu.memory_space<vmem>>) target(%dma_start3A_121 : memref<100352x16xf32, #tpu.memory_space<vmem_shared>>) offsets(%dma_start3A_118 : memref<80xi32, #tpu.memory_space<vmem>>) semaphore(%run_scoped3A : memref<!tpu.dma_semaphore, #tpu.memory_space<semaphore_mem>>) {add = true}
        %dma_wait3A_122 = arith.constant 160 : i32
        %dma_wait3A_123 = arith.constant 0 : i32
        %dma_wait3A_124 = tpu.memref_slice %arg8[%dma_wait3A_122, %dma_wait3A_123] : memref<800x16xf32, #tpu.memory_space<vmem>> -> memref<80x16xf32, #tpu.memory_space<vmem>>
        %dma_wait3A_125 = arith.constant 160 : i32
        %dma_wait3A_126 = tpu.memref_slice %arg10[%dma_wait3A_125] : memref<800xi32, #tpu.memory_space<vmem>> -> memref<80xi32, #tpu.memory_space<vmem>>
        %dma_wait3A_127 = arith.constant 0 : i32
        %dma_wait3A_128 = arith.constant 0 : i32
        %dma_wait3A_129 = tpu.memref_slice %arg6[%dma_wait3A_127, %dma_wait3A_128] : memref<100352x16xf32, #tpu.memory_space<vmem_shared>> -> memref<100352x16xf32, #tpu.memory_space<vmem_shared>>
        tpu.wait_indirect_dma semaphore(%run_scoped3A : memref<!tpu.dma_semaphore, #tpu.memory_space<semaphore_mem>>) src(%dma_wait3A_124 : memref<80x16xf32, #tpu.memory_space<vmem>>) dst(%dma_wait3A_129 : memref<100352x16xf32, #tpu.memory_space<vmem_shared>>)
        tpu.yield
      }) : () -> ()
      "tpu.region"() ({
        %run_scoped3A = tpu.sem_alloc : memref<!tpu.dma_semaphore, #tpu.memory_space<semaphore_mem>>
        %dma_start3A_114 = arith.constant 240 : i32
        %dma_start3A_115 = arith.constant 0 : i32
        %dma_start3A_116 = tpu.memref_slice %arg8[%dma_start3A_114, %dma_start3A_115] : memref<800x16xf32, #tpu.memory_space<vmem>> -> memref<80x16xf32, #tpu.memory_space<vmem>>
        %dma_start3A_117 = arith.constant 240 : i32
        %dma_start3A_118 = tpu.memref_slice %arg10[%dma_start3A_117] : memref<800xi32, #tpu.memory_space<vmem>> -> memref<80xi32, #tpu.memory_space<vmem>>
        %dma_start3A_119 = arith.constant 0 : i32
        %dma_start3A_120 = arith.constant 0 : i32
        %dma_start3A_121 = tpu.memref_slice %arg6[%dma_start3A_119, %dma_start3A_120] : memref<100352x16xf32, #tpu.memory_space<vmem_shared>> -> memref<100352x16xf32, #tpu.memory_space<vmem_shared>>
        tpu.enqueue_indirect_dma source(%dma_start3A_116 : memref<80x16xf32, #tpu.memory_space<vmem>>) target(%dma_start3A_121 : memref<100352x16xf32, #tpu.memory_space<vmem_shared>>) offsets(%dma_start3A_118 : memref<80xi32, #tpu.memory_space<vmem>>) semaphore(%run_scoped3A : memref<!tpu.dma_semaphore, #tpu.memory_space<semaphore_mem>>) {add = true}
        %dma_wait3A_122 = arith.constant 240 : i32
        %dma_wait3A_123 = arith.constant 0 : i32
        %dma_wait3A_124 = tpu.memref_slice %arg8[%dma_wait3A_122, %dma_wait3A_123] : memref<800x16xf32, #tpu.memory_space<vmem>> -> memref<80x16xf32, #tpu.memory_space<vmem>>
        %dma_wait3A_125 = arith.constant 240 : i32
        %dma_wait3A_126 = tpu.memref_slice %arg10[%dma_wait3A_125] : memref<800xi32, #tpu.memory_space<vmem>> -> memref<80xi32, #tpu.memory_space<vmem>>
        %dma_wait3A_127 = arith.constant 0 : i32
        %dma_wait3A_128 = arith.constant 0 : i32
        %dma_wait3A_129 = tpu.memref_slice %arg6[%dma_wait3A_127, %dma_wait3A_128] : memref<100352x16xf32, #tpu.memory_space<vmem_shared>> -> memref<100352x16xf32, #tpu.memory_space<vmem_shared>>
        tpu.wait_indirect_dma semaphore(%run_scoped3A : memref<!tpu.dma_semaphore, #tpu.memory_space<semaphore_mem>>) src(%dma_wait3A_124 : memref<80x16xf32, #tpu.memory_space<vmem>>) dst(%dma_wait3A_129 : memref<100352x16xf32, #tpu.memory_space<vmem_shared>>)
        tpu.yield
      }) : () -> ()
      "tpu.region"() ({
        %run_scoped3A = tpu.sem_alloc : memref<!tpu.dma_semaphore, #tpu.memory_space<semaphore_mem>>
        %dma_start3A_114 = arith.constant 320 : i32
        %dma_start3A_115 = arith.constant 0 : i32
        %dma_start3A_116 = tpu.memref_slice %arg8[%dma_start3A_114, %dma_start3A_115] : memref<800x16xf32, #tpu.memory_space<vmem>> -> memref<80x16xf32, #tpu.memory_space<vmem>>
        %dma_start3A_117 = arith.constant 320 : i32
        %dma_start3A_118 = tpu.memref_slice %arg10[%dma_start3A_117] : memref<800xi32, #tpu.memory_space<vmem>> -> memref<80xi32, #tpu.memory_space<vmem>>
        %dma_start3A_119 = arith.constant 0 : i32
        %dma_start3A_120 = arith.constant 0 : i32
        %dma_start3A_121 = tpu.memref_slice %arg6[%dma_start3A_119, %dma_start3A_120] : memref<100352x16xf32, #tpu.memory_space<vmem_shared>> -> memref<100352x16xf32, #tpu.memory_space<vmem_shared>>
        tpu.enqueue_indirect_dma source(%dma_start3A_116 : memref<80x16xf32, #tpu.memory_space<vmem>>) target(%dma_start3A_121 : memref<100352x16xf32, #tpu.memory_space<vmem_shared>>) offsets(%dma_start3A_118 : memref<80xi32, #tpu.memory_space<vmem>>) semaphore(%run_scoped3A : memref<!tpu.dma_semaphore, #tpu.memory_space<semaphore_mem>>) {add = true}
        %dma_wait3A_122 = arith.constant 320 : i32
        %dma_wait3A_123 = arith.constant 0 : i32
        %dma_wait3A_124 = tpu.memref_slice %arg8[%dma_wait3A_122, %dma_wait3A_123] : memref<800x16xf32, #tpu.memory_space<vmem>> -> memref<80x16xf32, #tpu.memory_space<vmem>>
        %dma_wait3A_125 = arith.constant 320 : i32
        %dma_wait3A_126 = tpu.memref_slice %arg10[%dma_wait3A_125] : memref<800xi32, #tpu.memory_space<vmem>> -> memref<80xi32, #tpu.memory_space<vmem>>
        %dma_wait3A_127 = arith.constant 0 : i32
        %dma_wait3A_128 = arith.constant 0 : i32
        %dma_wait3A_129 = tpu.memref_slice %arg6[%dma_wait3A_127, %dma_wait3A_128] : memref<100352x16xf32, #tpu.memory_space<vmem_shared>> -> memref<100352x16xf32, #tpu.memory_space<vmem_shared>>
        tpu.wait_indirect_dma semaphore(%run_scoped3A : memref<!tpu.dma_semaphore, #tpu.memory_space<semaphore_mem>>) src(%dma_wait3A_124 : memref<80x16xf32, #tpu.memory_space<vmem>>) dst(%dma_wait3A_129 : memref<100352x16xf32, #tpu.memory_space<vmem_shared>>)
        tpu.yield
      }) : () -> ()
      "tpu.region"() ({
        %run_scoped3A = tpu.sem_alloc : memref<!tpu.dma_semaphore, #tpu.memory_space<semaphore_mem>>
        %dma_start3A_114 = arith.constant 400 : i32
        %dma_start3A_115 = arith.constant 0 : i32
        %dma_start3A_116 = tpu.memref_slice %arg8[%dma_start3A_114, %dma_start3A_115] : memref<800x16xf32, #tpu.memory_space<vmem>> -> memref<80x16xf32, #tpu.memory_space<vmem>>
        %dma_start3A_117 = arith.constant 400 : i32
        %dma_start3A_118 = tpu.memref_slice %arg10[%dma_start3A_117] : memref<800xi32, #tpu.memory_space<vmem>> -> memref<80xi32, #tpu.memory_space<vmem>>
        %dma_start3A_119 = arith.constant 0 : i32
        %dma_start3A_120 = arith.constant 0 : i32
        %dma_start3A_121 = tpu.memref_slice %arg6[%dma_start3A_119, %dma_start3A_120] : memref<100352x16xf32, #tpu.memory_space<vmem_shared>> -> memref<100352x16xf32, #tpu.memory_space<vmem_shared>>
        tpu.enqueue_indirect_dma source(%dma_start3A_116 : memref<80x16xf32, #tpu.memory_space<vmem>>) target(%dma_start3A_121 : memref<100352x16xf32, #tpu.memory_space<vmem_shared>>) offsets(%dma_start3A_118 : memref<80xi32, #tpu.memory_space<vmem>>) semaphore(%run_scoped3A : memref<!tpu.dma_semaphore, #tpu.memory_space<semaphore_mem>>) {add = true}
        %dma_wait3A_122 = arith.constant 400 : i32
        %dma_wait3A_123 = arith.constant 0 : i32
        %dma_wait3A_124 = tpu.memref_slice %arg8[%dma_wait3A_122, %dma_wait3A_123] : memref<800x16xf32, #tpu.memory_space<vmem>> -> memref<80x16xf32, #tpu.memory_space<vmem>>
        %dma_wait3A_125 = arith.constant 400 : i32
        %dma_wait3A_126 = tpu.memref_slice %arg10[%dma_wait3A_125] : memref<800xi32, #tpu.memory_space<vmem>> -> memref<80xi32, #tpu.memory_space<vmem>>
        %dma_wait3A_127 = arith.constant 0 : i32
        %dma_wait3A_128 = arith.constant 0 : i32
        %dma_wait3A_129 = tpu.memref_slice %arg6[%dma_wait3A_127, %dma_wait3A_128] : memref<100352x16xf32, #tpu.memory_space<vmem_shared>> -> memref<100352x16xf32, #tpu.memory_space<vmem_shared>>
        tpu.wait_indirect_dma semaphore(%run_scoped3A : memref<!tpu.dma_semaphore, #tpu.memory_space<semaphore_mem>>) src(%dma_wait3A_124 : memref<80x16xf32, #tpu.memory_space<vmem>>) dst(%dma_wait3A_129 : memref<100352x16xf32, #tpu.memory_space<vmem_shared>>)
        tpu.yield
      }) : () -> ()
      "tpu.region"() ({
        %run_scoped3A = tpu.sem_alloc : memref<!tpu.dma_semaphore, #tpu.memory_space<semaphore_mem>>
        %dma_start3A_114 = arith.constant 480 : i32
        %dma_start3A_115 = arith.constant 0 : i32
        %dma_start3A_116 = tpu.memref_slice %arg8[%dma_start3A_114, %dma_start3A_115] : memref<800x16xf32, #tpu.memory_space<vmem>> -> memref<80x16xf32, #tpu.memory_space<vmem>>
        %dma_start3A_117 = arith.constant 480 : i32
        %dma_start3A_118 = tpu.memref_slice %arg10[%dma_start3A_117] : memref<800xi32, #tpu.memory_space<vmem>> -> memref<80xi32, #tpu.memory_space<vmem>>
        %dma_start3A_119 = arith.constant 0 : i32
        %dma_start3A_120 = arith.constant 0 : i32
        %dma_start3A_121 = tpu.memref_slice %arg6[%dma_start3A_119, %dma_start3A_120] : memref<100352x16xf32, #tpu.memory_space<vmem_shared>> -> memref<100352x16xf32, #tpu.memory_space<vmem_shared>>
        tpu.enqueue_indirect_dma source(%dma_start3A_116 : memref<80x16xf32, #tpu.memory_space<vmem>>) target(%dma_start3A_121 : memref<100352x16xf32, #tpu.memory_space<vmem_shared>>) offsets(%dma_start3A_118 : memref<80xi32, #tpu.memory_space<vmem>>) semaphore(%run_scoped3A : memref<!tpu.dma_semaphore, #tpu.memory_space<semaphore_mem>>) {add = true}
        %dma_wait3A_122 = arith.constant 480 : i32
        %dma_wait3A_123 = arith.constant 0 : i32
        %dma_wait3A_124 = tpu.memref_slice %arg8[%dma_wait3A_122, %dma_wait3A_123] : memref<800x16xf32, #tpu.memory_space<vmem>> -> memref<80x16xf32, #tpu.memory_space<vmem>>
        %dma_wait3A_125 = arith.constant 480 : i32
        %dma_wait3A_126 = tpu.memref_slice %arg10[%dma_wait3A_125] : memref<800xi32, #tpu.memory_space<vmem>> -> memref<80xi32, #tpu.memory_space<vmem>>
        %dma_wait3A_127 = arith.constant 0 : i32
        %dma_wait3A_128 = arith.constant 0 : i32
        %dma_wait3A_129 = tpu.memref_slice %arg6[%dma_wait3A_127, %dma_wait3A_128] : memref<100352x16xf32, #tpu.memory_space<vmem_shared>> -> memref<100352x16xf32, #tpu.memory_space<vmem_shared>>
        tpu.wait_indirect_dma semaphore(%run_scoped3A : memref<!tpu.dma_semaphore, #tpu.memory_space<semaphore_mem>>) src(%dma_wait3A_124 : memref<80x16xf32, #tpu.memory_space<vmem>>) dst(%dma_wait3A_129 : memref<100352x16xf32, #tpu.memory_space<vmem_shared>>)
        tpu.yield
      }) : () -> ()
      "tpu.region"() ({
        %run_scoped3A = tpu.sem_alloc : memref<!tpu.dma_semaphore, #tpu.memory_space<semaphore_mem>>
        %dma_start3A_114 = arith.constant 560 : i32
        %dma_start3A_115 = arith.constant 0 : i32
        %dma_start3A_116 = tpu.memref_slice %arg8[%dma_start3A_114, %dma_start3A_115] : memref<800x16xf32, #tpu.memory_space<vmem>> -> memref<80x16xf32, #tpu.memory_space<vmem>>
        %dma_start3A_117 = arith.constant 560 : i32
        %dma_start3A_118 = tpu.memref_slice %arg10[%dma_start3A_117] : memref<800xi32, #tpu.memory_space<vmem>> -> memref<80xi32, #tpu.memory_space<vmem>>
        %dma_start3A_119 = arith.constant 0 : i32
        %dma_start3A_120 = arith.constant 0 : i32
        %dma_start3A_121 = tpu.memref_slice %arg6[%dma_start3A_119, %dma_start3A_120] : memref<100352x16xf32, #tpu.memory_space<vmem_shared>> -> memref<100352x16xf32, #tpu.memory_space<vmem_shared>>
        tpu.enqueue_indirect_dma source(%dma_start3A_116 : memref<80x16xf32, #tpu.memory_space<vmem>>) target(%dma_start3A_121 : memref<100352x16xf32, #tpu.memory_space<vmem_shared>>) offsets(%dma_start3A_118 : memref<80xi32, #tpu.memory_space<vmem>>) semaphore(%run_scoped3A : memref<!tpu.dma_semaphore, #tpu.memory_space<semaphore_mem>>) {add = true}
        %dma_wait3A_122 = arith.constant 560 : i32
        %dma_wait3A_123 = arith.constant 0 : i32
        %dma_wait3A_124 = tpu.memref_slice %arg8[%dma_wait3A_122, %dma_wait3A_123] : memref<800x16xf32, #tpu.memory_space<vmem>> -> memref<80x16xf32, #tpu.memory_space<vmem>>
        %dma_wait3A_125 = arith.constant 560 : i32
        %dma_wait3A_126 = tpu.memref_slice %arg10[%dma_wait3A_125] : memref<800xi32, #tpu.memory_space<vmem>> -> memref<80xi32, #tpu.memory_space<vmem>>
        %dma_wait3A_127 = arith.constant 0 : i32
        %dma_wait3A_128 = arith.constant 0 : i32
        %dma_wait3A_129 = tpu.memref_slice %arg6[%dma_wait3A_127, %dma_wait3A_128] : memref<100352x16xf32, #tpu.memory_space<vmem_shared>> -> memref<100352x16xf32, #tpu.memory_space<vmem_shared>>
        tpu.wait_indirect_dma semaphore(%run_scoped3A : memref<!tpu.dma_semaphore, #tpu.memory_space<semaphore_mem>>) src(%dma_wait3A_124 : memref<80x16xf32, #tpu.memory_space<vmem>>) dst(%dma_wait3A_129 : memref<100352x16xf32, #tpu.memory_space<vmem_shared>>)
        tpu.yield
      }) : () -> ()
      "tpu.region"() ({
        %run_scoped3A = tpu.sem_alloc : memref<!tpu.dma_semaphore, #tpu.memory_space<semaphore_mem>>
        %dma_start3A_114 = arith.constant 640 : i32
        %dma_start3A_115 = arith.constant 0 : i32
        %dma_start3A_116 = tpu.memref_slice %arg8[%dma_start3A_114, %dma_start3A_115] : memref<800x16xf32, #tpu.memory_space<vmem>> -> memref<80x16xf32, #tpu.memory_space<vmem>>
        %dma_start3A_117 = arith.constant 640 : i32
        %dma_start3A_118 = tpu.memref_slice %arg10[%dma_start3A_117] : memref<800xi32, #tpu.memory_space<vmem>> -> memref<80xi32, #tpu.memory_space<vmem>>
        %dma_start3A_119 = arith.constant 0 : i32
        %dma_start3A_120 = arith.constant 0 : i32
        %dma_start3A_121 = tpu.memref_slice %arg6[%dma_start3A_119, %dma_start3A_120] : memref<100352x16xf32, #tpu.memory_space<vmem_shared>> -> memref<100352x16xf32, #tpu.memory_space<vmem_shared>>
        tpu.enqueue_indirect_dma source(%dma_start3A_116 : memref<80x16xf32, #tpu.memory_space<vmem>>) target(%dma_start3A_121 : memref<100352x16xf32, #tpu.memory_space<vmem_shared>>) offsets(%dma_start3A_118 : memref<80xi32, #tpu.memory_space<vmem>>) semaphore(%run_scoped3A : memref<!tpu.dma_semaphore, #tpu.memory_space<semaphore_mem>>) {add = true}
        %dma_wait3A_122 = arith.constant 640 : i32
        %dma_wait3A_123 = arith.constant 0 : i32
        %dma_wait3A_124 = tpu.memref_slice %arg8[%dma_wait3A_122, %dma_wait3A_123] : memref<800x16xf32, #tpu.memory_space<vmem>> -> memref<80x16xf32, #tpu.memory_space<vmem>>
        %dma_wait3A_125 = arith.constant 640 : i32
        %dma_wait3A_126 = tpu.memref_slice %arg10[%dma_wait3A_125] : memref<800xi32, #tpu.memory_space<vmem>> -> memref<80xi32, #tpu.memory_space<vmem>>
        %dma_wait3A_127 = arith.constant 0 : i32
        %dma_wait3A_128 = arith.constant 0 : i32
        %dma_wait3A_129 = tpu.memref_slice %arg6[%dma_wait3A_127, %dma_wait3A_128] : memref<100352x16xf32, #tpu.memory_space<vmem_shared>> -> memref<100352x16xf32, #tpu.memory_space<vmem_shared>>
        tpu.wait_indirect_dma semaphore(%run_scoped3A : memref<!tpu.dma_semaphore, #tpu.memory_space<semaphore_mem>>) src(%dma_wait3A_124 : memref<80x16xf32, #tpu.memory_space<vmem>>) dst(%dma_wait3A_129 : memref<100352x16xf32, #tpu.memory_space<vmem_shared>>)
        tpu.yield
      }) : () -> ()
      "tpu.region"() ({
        %run_scoped3A = tpu.sem_alloc : memref<!tpu.dma_semaphore, #tpu.memory_space<semaphore_mem>>
        %dma_start3A_114 = arith.constant 720 : i32
        %dma_start3A_115 = arith.constant 0 : i32
        %dma_start3A_116 = tpu.memref_slice %arg8[%dma_start3A_114, %dma_start3A_115] : memref<800x16xf32, #tpu.memory_space<vmem>> -> memref<80x16xf32, #tpu.memory_space<vmem>>
        %dma_start3A_117 = arith.constant 720 : i32
        %dma_start3A_118 = tpu.memref_slice %arg10[%dma_start3A_117] : memref<800xi32, #tpu.memory_space<vmem>> -> memref<80xi32, #tpu.memory_space<vmem>>
        %dma_start3A_119 = arith.constant 0 : i32
        %dma_start3A_120 = arith.constant 0 : i32
        %dma_start3A_121 = tpu.memref_slice %arg6[%dma_start3A_119, %dma_start3A_120] : memref<100352x16xf32, #tpu.memory_space<vmem_shared>> -> memref<100352x16xf32, #tpu.memory_space<vmem_shared>>
        tpu.enqueue_indirect_dma source(%dma_start3A_116 : memref<80x16xf32, #tpu.memory_space<vmem>>) target(%dma_start3A_121 : memref<100352x16xf32, #tpu.memory_space<vmem_shared>>) offsets(%dma_start3A_118 : memref<80xi32, #tpu.memory_space<vmem>>) semaphore(%run_scoped3A : memref<!tpu.dma_semaphore, #tpu.memory_space<semaphore_mem>>) {add = true}
        %dma_wait3A_122 = arith.constant 720 : i32
        %dma_wait3A_123 = arith.constant 0 : i32
        %dma_wait3A_124 = tpu.memref_slice %arg8[%dma_wait3A_122, %dma_wait3A_123] : memref<800x16xf32, #tpu.memory_space<vmem>> -> memref<80x16xf32, #tpu.memory_space<vmem>>
        %dma_wait3A_125 = arith.constant 720 : i32
        %dma_wait3A_126 = tpu.memref_slice %arg10[%dma_wait3A_125] : memref<800xi32, #tpu.memory_space<vmem>> -> memref<80xi32, #tpu.memory_space<vmem>>
        %dma_wait3A_127 = arith.constant 0 : i32
        %dma_wait3A_128 = arith.constant 0 : i32
        %dma_wait3A_129 = tpu.memref_slice %arg6[%dma_wait3A_127, %dma_wait3A_128] : memref<100352x16xf32, #tpu.memory_space<vmem_shared>> -> memref<100352x16xf32, #tpu.memory_space<vmem_shared>>
        tpu.wait_indirect_dma semaphore(%run_scoped3A : memref<!tpu.dma_semaphore, #tpu.memory_space<semaphore_mem>>) src(%dma_wait3A_124 : memref<80x16xf32, #tpu.memory_space<vmem>>) dst(%dma_wait3A_129 : memref<100352x16xf32, #tpu.memory_space<vmem_shared>>)
        tpu.yield
      }) : () -> ()
    }
    %scan3A_30 = arith.constant 62 : i32
    %dma_wait3A = arith.constant 0 : i32
    %dma_wait3A_31 = arith.constant 0 : i32
    %dma_wait3A_32 = tpu.memref_slice %arg2[%dma_wait3A, %dma_wait3A_31] : memref<1600000x16xf32, #tpu.memory_space<hbm>> -> memref<800x16xf32, #tpu.memory_space<hbm>>
    %dma_wait3A_33 = arith.constant 0 : i32
    %dma_wait3A_34 = arith.constant 0 : i32
    %dma_wait3A_35 = tpu.memref_slice %arg2[%dma_wait3A_33, %dma_wait3A_34] : memref<1600000x16xf32, #tpu.memory_space<hbm>> -> memref<800x16xf32, #tpu.memory_space<hbm>>
    tpu.wait_dma2 semaphore(%arg11 : memref<!tpu.dma_semaphore, #tpu.memory_space<semaphore_mem>>) src(%dma_wait3A_35 : memref<800x16xf32, #tpu.memory_space<hbm>>) dst(%arg7 : memref<800x16xf32, #tpu.memory_space<vmem>>)
    %dma_wait3A_36 = arith.constant 0 : i32
    %dma_wait3A_37 = arith.constant 0 : i32
    %dma_wait3A_38 = tpu.memref_slice %arg3[%dma_wait3A_36, %dma_wait3A_37] : memref<2x1600000xi32, #tpu.memory_space<hbm>> -> memref<1x800xi32, #tpu.memory_space<hbm>>
    %dma_wait3A_39 = tpu.memref_squeeze %dma_wait3A_38 : memref<1x800xi32, #tpu.memory_space<hbm>> -> memref<800xi32, #tpu.memory_space<hbm>>
    %dma_wait3A_40 = arith.constant 0 : i32
    %dma_wait3A_41 = tpu.memref_slice %arg3[%dma_wait3A_36, %dma_wait3A_40] : memref<2x1600000xi32, #tpu.memory_space<hbm>> -> memref<1x800xi32, #tpu.memory_space<hbm>>
    %dma_wait3A_42 = tpu.memref_squeeze %dma_wait3A_41 : memref<1x800xi32, #tpu.memory_space<hbm>> -> memref<800xi32, #tpu.memory_space<hbm>>
    tpu.wait_dma2 semaphore(%arg11 : memref<!tpu.dma_semaphore, #tpu.memory_space<semaphore_mem>>) src(%dma_wait3A_42 : memref<800xi32, #tpu.memory_space<hbm>>) dst(%arg9 : memref<800xi32, #tpu.memory_space<vmem>>)
    "tpu.region"() ({
      %run_scoped3A = tpu.sem_alloc : memref<!tpu.dma_semaphore, #tpu.memory_space<semaphore_mem>>
      %dma_start3A_53 = arith.constant 0 : i32
      %dma_start3A_54 = arith.constant 0 : i32
      %dma_start3A_55 = tpu.memref_slice %arg7[%dma_start3A_53, %dma_start3A_54] : memref<800x16xf32, #tpu.memory_space<vmem>> -> memref<80x16xf32, #tpu.memory_space<vmem>>
      %dma_start3A_56 = arith.constant 0 : i32
      %dma_start3A_57 = tpu.memref_slice %arg9[%dma_start3A_56] : memref<800xi32, #tpu.memory_space<vmem>> -> memref<80xi32, #tpu.memory_space<vmem>>
      %dma_start3A_58 = arith.constant 0 : i32
      %dma_start3A_59 = arith.constant 0 : i32
      %dma_start3A_60 = tpu.memref_slice %arg6[%dma_start3A_58, %dma_start3A_59] : memref<100352x16xf32, #tpu.memory_space<vmem_shared>> -> memref<100352x16xf32, #tpu.memory_space<vmem_shared>>
      tpu.enqueue_indirect_dma source(%dma_start3A_55 : memref<80x16xf32, #tpu.memory_space<vmem>>) target(%dma_start3A_60 : memref<100352x16xf32, #tpu.memory_space<vmem_shared>>) offsets(%dma_start3A_57 : memref<80xi32, #tpu.memory_space<vmem>>) semaphore(%run_scoped3A : memref<!tpu.dma_semaphore, #tpu.memory_space<semaphore_mem>>) {add = true}
      %dma_wait3A_61 = arith.constant 0 : i32
      %dma_wait3A_62 = arith.constant 0 : i32
      %dma_wait3A_63 = tpu.memref_slice %arg7[%dma_wait3A_61, %dma_wait3A_62] : memref<800x16xf32, #tpu.memory_space<vmem>> -> memref<80x16xf32, #tpu.memory_space<vmem>>
      %dma_wait3A_64 = arith.constant 0 : i32
      %dma_wait3A_65 = tpu.memref_slice %arg9[%dma_wait3A_64] : memref<800xi32, #tpu.memory_space<vmem>> -> memref<80xi32, #tpu.memory_space<vmem>>
      %dma_wait3A_66 = arith.constant 0 : i32
      %dma_wait3A_67 = arith.constant 0 : i32
      %dma_wait3A_68 = tpu.memref_slice %arg6[%dma_wait3A_66, %dma_wait3A_67] : memref<100352x16xf32, #tpu.memory_space<vmem_shared>> -> memref<100352x16xf32, #tpu.memory_space<vmem_shared>>
      tpu.wait_indirect_dma semaphore(%run_scoped3A : memref<!tpu.dma_semaphore, #tpu.memory_space<semaphore_mem>>) src(%dma_wait3A_63 : memref<80x16xf32, #tpu.memory_space<vmem>>) dst(%dma_wait3A_68 : memref<100352x16xf32, #tpu.memory_space<vmem_shared>>)
      tpu.yield
    }) : () -> ()
    "tpu.region"() ({
      %run_scoped3A = tpu.sem_alloc : memref<!tpu.dma_semaphore, #tpu.memory_space<semaphore_mem>>
      %dma_start3A_53 = arith.constant 80 : i32
      %dma_start3A_54 = arith.constant 0 : i32
      %dma_start3A_55 = tpu.memref_slice %arg7[%dma_start3A_53, %dma_start3A_54] : memref<800x16xf32, #tpu.memory_space<vmem>> -> memref<80x16xf32, #tpu.memory_space<vmem>>
      %dma_start3A_56 = arith.constant 80 : i32
      %dma_start3A_57 = tpu.memref_slice %arg9[%dma_start3A_56] : memref<800xi32, #tpu.memory_space<vmem>> -> memref<80xi32, #tpu.memory_space<vmem>>
      %dma_start3A_58 = arith.constant 0 : i32
      %dma_start3A_59 = arith.constant 0 : i32
      %dma_start3A_60 = tpu.memref_slice %arg6[%dma_start3A_58, %dma_start3A_59] : memref<100352x16xf32, #tpu.memory_space<vmem_shared>> -> memref<100352x16xf32, #tpu.memory_space<vmem_shared>>
      tpu.enqueue_indirect_dma source(%dma_start3A_55 : memref<80x16xf32, #tpu.memory_space<vmem>>) target(%dma_start3A_60 : memref<100352x16xf32, #tpu.memory_space<vmem_shared>>) offsets(%dma_start3A_57 : memref<80xi32, #tpu.memory_space<vmem>>) semaphore(%run_scoped3A : memref<!tpu.dma_semaphore, #tpu.memory_space<semaphore_mem>>) {add = true}
      %dma_wait3A_61 = arith.constant 80 : i32
      %dma_wait3A_62 = arith.constant 0 : i32
      %dma_wait3A_63 = tpu.memref_slice %arg7[%dma_wait3A_61, %dma_wait3A_62] : memref<800x16xf32, #tpu.memory_space<vmem>> -> memref<80x16xf32, #tpu.memory_space<vmem>>
      %dma_wait3A_64 = arith.constant 80 : i32
      %dma_wait3A_65 = tpu.memref_slice %arg9[%dma_wait3A_64] : memref<800xi32, #tpu.memory_space<vmem>> -> memref<80xi32, #tpu.memory_space<vmem>>
      %dma_wait3A_66 = arith.constant 0 : i32
      %dma_wait3A_67 = arith.constant 0 : i32
      %dma_wait3A_68 = tpu.memref_slice %arg6[%dma_wait3A_66, %dma_wait3A_67] : memref<100352x16xf32, #tpu.memory_space<vmem_shared>> -> memref<100352x16xf32, #tpu.memory_space<vmem_shared>>
      tpu.wait_indirect_dma semaphore(%run_scoped3A : memref<!tpu.dma_semaphore, #tpu.memory_space<semaphore_mem>>) src(%dma_wait3A_63 : memref<80x16xf32, #tpu.memory_space<vmem>>) dst(%dma_wait3A_68 : memref<100352x16xf32, #tpu.memory_space<vmem_shared>>)
      tpu.yield
    }) : () -> ()
    "tpu.region"() ({
      %run_scoped3A = tpu.sem_alloc : memref<!tpu.dma_semaphore, #tpu.memory_space<semaphore_mem>>
      %dma_start3A_53 = arith.constant 160 : i32
      %dma_start3A_54 = arith.constant 0 : i32
      %dma_start3A_55 = tpu.memref_slice %arg7[%dma_start3A_53, %dma_start3A_54] : memref<800x16xf32, #tpu.memory_space<vmem>> -> memref<80x16xf32, #tpu.memory_space<vmem>>
      %dma_start3A_56 = arith.constant 160 : i32
      %dma_start3A_57 = tpu.memref_slice %arg9[%dma_start3A_56] : memref<800xi32, #tpu.memory_space<vmem>> -> memref<80xi32, #tpu.memory_space<vmem>>
      %dma_start3A_58 = arith.constant 0 : i32
      %dma_start3A_59 = arith.constant 0 : i32
      %dma_start3A_60 = tpu.memref_slice %arg6[%dma_start3A_58, %dma_start3A_59] : memref<100352x16xf32, #tpu.memory_space<vmem_shared>> -> memref<100352x16xf32, #tpu.memory_space<vmem_shared>>
      tpu.enqueue_indirect_dma source(%dma_start3A_55 : memref<80x16xf32, #tpu.memory_space<vmem>>) target(%dma_start3A_60 : memref<100352x16xf32, #tpu.memory_space<vmem_shared>>) offsets(%dma_start3A_57 : memref<80xi32, #tpu.memory_space<vmem>>) semaphore(%run_scoped3A : memref<!tpu.dma_semaphore, #tpu.memory_space<semaphore_mem>>) {add = true}
      %dma_wait3A_61 = arith.constant 160 : i32
      %dma_wait3A_62 = arith.constant 0 : i32
      %dma_wait3A_63 = tpu.memref_slice %arg7[%dma_wait3A_61, %dma_wait3A_62] : memref<800x16xf32, #tpu.memory_space<vmem>> -> memref<80x16xf32, #tpu.memory_space<vmem>>
      %dma_wait3A_64 = arith.constant 160 : i32
      %dma_wait3A_65 = tpu.memref_slice %arg9[%dma_wait3A_64] : memref<800xi32, #tpu.memory_space<vmem>> -> memref<80xi32, #tpu.memory_space<vmem>>
      %dma_wait3A_66 = arith.constant 0 : i32
      %dma_wait3A_67 = arith.constant 0 : i32
      %dma_wait3A_68 = tpu.memref_slice %arg6[%dma_wait3A_66, %dma_wait3A_67] : memref<100352x16xf32, #tpu.memory_space<vmem_shared>> -> memref<100352x16xf32, #tpu.memory_space<vmem_shared>>
      tpu.wait_indirect_dma semaphore(%run_scoped3A : memref<!tpu.dma_semaphore, #tpu.memory_space<semaphore_mem>>) src(%dma_wait3A_63 : memref<80x16xf32, #tpu.memory_space<vmem>>) dst(%dma_wait3A_68 : memref<100352x16xf32, #tpu.memory_space<vmem_shared>>)
      tpu.yield
    }) : () -> ()
    "tpu.region"() ({
      %run_scoped3A = tpu.sem_alloc : memref<!tpu.dma_semaphore, #tpu.memory_space<semaphore_mem>>
      %dma_start3A_53 = arith.constant 240 : i32
      %dma_start3A_54 = arith.constant 0 : i32
      %dma_start3A_55 = tpu.memref_slice %arg7[%dma_start3A_53, %dma_start3A_54] : memref<800x16xf32, #tpu.memory_space<vmem>> -> memref<80x16xf32, #tpu.memory_space<vmem>>
      %dma_start3A_56 = arith.constant 240 : i32
      %dma_start3A_57 = tpu.memref_slice %arg9[%dma_start3A_56] : memref<800xi32, #tpu.memory_space<vmem>> -> memref<80xi32, #tpu.memory_space<vmem>>
      %dma_start3A_58 = arith.constant 0 : i32
      %dma_start3A_59 = arith.constant 0 : i32
      %dma_start3A_60 = tpu.memref_slice %arg6[%dma_start3A_58, %dma_start3A_59] : memref<100352x16xf32, #tpu.memory_space<vmem_shared>> -> memref<100352x16xf32, #tpu.memory_space<vmem_shared>>
      tpu.enqueue_indirect_dma source(%dma_start3A_55 : memref<80x16xf32, #tpu.memory_space<vmem>>) target(%dma_start3A_60 : memref<100352x16xf32, #tpu.memory_space<vmem_shared>>) offsets(%dma_start3A_57 : memref<80xi32, #tpu.memory_space<vmem>>) semaphore(%run_scoped3A : memref<!tpu.dma_semaphore, #tpu.memory_space<semaphore_mem>>) {add = true}
      %dma_wait3A_61 = arith.constant 240 : i32
      %dma_wait3A_62 = arith.constant 0 : i32
      %dma_wait3A_63 = tpu.memref_slice %arg7[%dma_wait3A_61, %dma_wait3A_62] : memref<800x16xf32, #tpu.memory_space<vmem>> -> memref<80x16xf32, #tpu.memory_space<vmem>>
      %dma_wait3A_64 = arith.constant 240 : i32
      %dma_wait3A_65 = tpu.memref_slice %arg9[%dma_wait3A_64] : memref<800xi32, #tpu.memory_space<vmem>> -> memref<80xi32, #tpu.memory_space<vmem>>
      %dma_wait3A_66 = arith.constant 0 : i32
      %dma_wait3A_67 = arith.constant 0 : i32
      %dma_wait3A_68 = tpu.memref_slice %arg6[%dma_wait3A_66, %dma_wait3A_67] : memref<100352x16xf32, #tpu.memory_space<vmem_shared>> -> memref<100352x16xf32, #tpu.memory_space<vmem_shared>>
      tpu.wait_indirect_dma semaphore(%run_scoped3A : memref<!tpu.dma_semaphore, #tpu.memory_space<semaphore_mem>>) src(%dma_wait3A_63 : memref<80x16xf32, #tpu.memory_space<vmem>>) dst(%dma_wait3A_68 : memref<100352x16xf32, #tpu.memory_space<vmem_shared>>)
      tpu.yield
    }) : () -> ()
    "tpu.region"() ({
      %run_scoped3A = tpu.sem_alloc : memref<!tpu.dma_semaphore, #tpu.memory_space<semaphore_mem>>
      %dma_start3A_53 = arith.constant 320 : i32
      %dma_start3A_54 = arith.constant 0 : i32
      %dma_start3A_55 = tpu.memref_slice %arg7[%dma_start3A_53, %dma_start3A_54] : memref<800x16xf32, #tpu.memory_space<vmem>> -> memref<80x16xf32, #tpu.memory_space<vmem>>
      %dma_start3A_56 = arith.constant 320 : i32
      %dma_start3A_57 = tpu.memref_slice %arg9[%dma_start3A_56] : memref<800xi32, #tpu.memory_space<vmem>> -> memref<80xi32, #tpu.memory_space<vmem>>
      %dma_start3A_58 = arith.constant 0 : i32
      %dma_start3A_59 = arith.constant 0 : i32
      %dma_start3A_60 = tpu.memref_slice %arg6[%dma_start3A_58, %dma_start3A_59] : memref<100352x16xf32, #tpu.memory_space<vmem_shared>> -> memref<100352x16xf32, #tpu.memory_space<vmem_shared>>
      tpu.enqueue_indirect_dma source(%dma_start3A_55 : memref<80x16xf32, #tpu.memory_space<vmem>>) target(%dma_start3A_60 : memref<100352x16xf32, #tpu.memory_space<vmem_shared>>) offsets(%dma_start3A_57 : memref<80xi32, #tpu.memory_space<vmem>>) semaphore(%run_scoped3A : memref<!tpu.dma_semaphore, #tpu.memory_space<semaphore_mem>>) {add = true}
      %dma_wait3A_61 = arith.constant 320 : i32
      %dma_wait3A_62 = arith.constant 0 : i32
      %dma_wait3A_63 = tpu.memref_slice %arg7[%dma_wait3A_61, %dma_wait3A_62] : memref<800x16xf32, #tpu.memory_space<vmem>> -> memref<80x16xf32, #tpu.memory_space<vmem>>
      %dma_wait3A_64 = arith.constant 320 : i32
      %dma_wait3A_65 = tpu.memref_slice %arg9[%dma_wait3A_64] : memref<800xi32, #tpu.memory_space<vmem>> -> memref<80xi32, #tpu.memory_space<vmem>>
      %dma_wait3A_66 = arith.constant 0 : i32
      %dma_wait3A_67 = arith.constant 0 : i32
      %dma_wait3A_68 = tpu.memref_slice %arg6[%dma_wait3A_66, %dma_wait3A_67] : memref<100352x16xf32, #tpu.memory_space<vmem_shared>> -> memref<100352x16xf32, #tpu.memory_space<vmem_shared>>
      tpu.wait_indirect_dma semaphore(%run_scoped3A : memref<!tpu.dma_semaphore, #tpu.memory_space<semaphore_mem>>) src(%dma_wait3A_63 : memref<80x16xf32, #tpu.memory_space<vmem>>) dst(%dma_wait3A_68 : memref<100352x16xf32, #tpu.memory_space<vmem_shared>>)
      tpu.yield
    }) : () -> ()
    "tpu.region"() ({
      %run_scoped3A = tpu.sem_alloc : memref<!tpu.dma_semaphore, #tpu.memory_space<semaphore_mem>>
      %dma_start3A_53 = arith.constant 400 : i32
      %dma_start3A_54 = arith.constant 0 : i32
      %dma_start3A_55 = tpu.memref_slice %arg7[%dma_start3A_53, %dma_start3A_54] : memref<800x16xf32, #tpu.memory_space<vmem>> -> memref<80x16xf32, #tpu.memory_space<vmem>>
      %dma_start3A_56 = arith.constant 400 : i32
      %dma_start3A_57 = tpu.memref_slice %arg9[%dma_start3A_56] : memref<800xi32, #tpu.memory_space<vmem>> -> memref<80xi32, #tpu.memory_space<vmem>>
      %dma_start3A_58 = arith.constant 0 : i32
      %dma_start3A_59 = arith.constant 0 : i32
      %dma_start3A_60 = tpu.memref_slice %arg6[%dma_start3A_58, %dma_start3A_59] : memref<100352x16xf32, #tpu.memory_space<vmem_shared>> -> memref<100352x16xf32, #tpu.memory_space<vmem_shared>>
      tpu.enqueue_indirect_dma source(%dma_start3A_55 : memref<80x16xf32, #tpu.memory_space<vmem>>) target(%dma_start3A_60 : memref<100352x16xf32, #tpu.memory_space<vmem_shared>>) offsets(%dma_start3A_57 : memref<80xi32, #tpu.memory_space<vmem>>) semaphore(%run_scoped3A : memref<!tpu.dma_semaphore, #tpu.memory_space<semaphore_mem>>) {add = true}
      %dma_wait3A_61 = arith.constant 400 : i32
      %dma_wait3A_62 = arith.constant 0 : i32
      %dma_wait3A_63 = tpu.memref_slice %arg7[%dma_wait3A_61, %dma_wait3A_62] : memref<800x16xf32, #tpu.memory_space<vmem>> -> memref<80x16xf32, #tpu.memory_space<vmem>>
      %dma_wait3A_64 = arith.constant 400 : i32
      %dma_wait3A_65 = tpu.memref_slice %arg9[%dma_wait3A_64] : memref<800xi32, #tpu.memory_space<vmem>> -> memref<80xi32, #tpu.memory_space<vmem>>
      %dma_wait3A_66 = arith.constant 0 : i32
      %dma_wait3A_67 = arith.constant 0 : i32
      %dma_wait3A_68 = tpu.memref_slice %arg6[%dma_wait3A_66, %dma_wait3A_67] : memref<100352x16xf32, #tpu.memory_space<vmem_shared>> -> memref<100352x16xf32, #tpu.memory_space<vmem_shared>>
      tpu.wait_indirect_dma semaphore(%run_scoped3A : memref<!tpu.dma_semaphore, #tpu.memory_space<semaphore_mem>>) src(%dma_wait3A_63 : memref<80x16xf32, #tpu.memory_space<vmem>>) dst(%dma_wait3A_68 : memref<100352x16xf32, #tpu.memory_space<vmem_shared>>)
      tpu.yield
    }) : () -> ()
    "tpu.region"() ({
      %run_scoped3A = tpu.sem_alloc : memref<!tpu.dma_semaphore, #tpu.memory_space<semaphore_mem>>
      %dma_start3A_53 = arith.constant 480 : i32
      %dma_start3A_54 = arith.constant 0 : i32
      %dma_start3A_55 = tpu.memref_slice %arg7[%dma_start3A_53, %dma_start3A_54] : memref<800x16xf32, #tpu.memory_space<vmem>> -> memref<80x16xf32, #tpu.memory_space<vmem>>
      %dma_start3A_56 = arith.constant 480 : i32
      %dma_start3A_57 = tpu.memref_slice %arg9[%dma_start3A_56] : memref<800xi32, #tpu.memory_space<vmem>> -> memref<80xi32, #tpu.memory_space<vmem>>
      %dma_start3A_58 = arith.constant 0 : i32
      %dma_start3A_59 = arith.constant 0 : i32
      %dma_start3A_60 = tpu.memref_slice %arg6[%dma_start3A_58, %dma_start3A_59] : memref<100352x16xf32, #tpu.memory_space<vmem_shared>> -> memref<100352x16xf32, #tpu.memory_space<vmem_shared>>
      tpu.enqueue_indirect_dma source(%dma_start3A_55 : memref<80x16xf32, #tpu.memory_space<vmem>>) target(%dma_start3A_60 : memref<100352x16xf32, #tpu.memory_space<vmem_shared>>) offsets(%dma_start3A_57 : memref<80xi32, #tpu.memory_space<vmem>>) semaphore(%run_scoped3A : memref<!tpu.dma_semaphore, #tpu.memory_space<semaphore_mem>>) {add = true}
      %dma_wait3A_61 = arith.constant 480 : i32
      %dma_wait3A_62 = arith.constant 0 : i32
      %dma_wait3A_63 = tpu.memref_slice %arg7[%dma_wait3A_61, %dma_wait3A_62] : memref<800x16xf32, #tpu.memory_space<vmem>> -> memref<80x16xf32, #tpu.memory_space<vmem>>
      %dma_wait3A_64 = arith.constant 480 : i32
      %dma_wait3A_65 = tpu.memref_slice %arg9[%dma_wait3A_64] : memref<800xi32, #tpu.memory_space<vmem>> -> memref<80xi32, #tpu.memory_space<vmem>>
      %dma_wait3A_66 = arith.constant 0 : i32
      %dma_wait3A_67 = arith.constant 0 : i32
      %dma_wait3A_68 = tpu.memref_slice %arg6[%dma_wait3A_66, %dma_wait3A_67] : memref<100352x16xf32, #tpu.memory_space<vmem_shared>> -> memref<100352x16xf32, #tpu.memory_space<vmem_shared>>
      tpu.wait_indirect_dma semaphore(%run_scoped3A : memref<!tpu.dma_semaphore, #tpu.memory_space<semaphore_mem>>) src(%dma_wait3A_63 : memref<80x16xf32, #tpu.memory_space<vmem>>) dst(%dma_wait3A_68 : memref<100352x16xf32, #tpu.memory_space<vmem_shared>>)
      tpu.yield
    }) : () -> ()
    "tpu.region"() ({
      %run_scoped3A = tpu.sem_alloc : memref<!tpu.dma_semaphore, #tpu.memory_space<semaphore_mem>>
      %dma_start3A_53 = arith.constant 560 : i32
      %dma_start3A_54 = arith.constant 0 : i32
      %dma_start3A_55 = tpu.memref_slice %arg7[%dma_start3A_53, %dma_start3A_54] : memref<800x16xf32, #tpu.memory_space<vmem>> -> memref<80x16xf32, #tpu.memory_space<vmem>>
      %dma_start3A_56 = arith.constant 560 : i32
      %dma_start3A_57 = tpu.memref_slice %arg9[%dma_start3A_56] : memref<800xi32, #tpu.memory_space<vmem>> -> memref<80xi32, #tpu.memory_space<vmem>>
      %dma_start3A_58 = arith.constant 0 : i32
      %dma_start3A_59 = arith.constant 0 : i32
      %dma_start3A_60 = tpu.memref_slice %arg6[%dma_start3A_58, %dma_start3A_59] : memref<100352x16xf32, #tpu.memory_space<vmem_shared>> -> memref<100352x16xf32, #tpu.memory_space<vmem_shared>>
      tpu.enqueue_indirect_dma source(%dma_start3A_55 : memref<80x16xf32, #tpu.memory_space<vmem>>) target(%dma_start3A_60 : memref<100352x16xf32, #tpu.memory_space<vmem_shared>>) offsets(%dma_start3A_57 : memref<80xi32, #tpu.memory_space<vmem>>) semaphore(%run_scoped3A : memref<!tpu.dma_semaphore, #tpu.memory_space<semaphore_mem>>) {add = true}
      %dma_wait3A_61 = arith.constant 560 : i32
      %dma_wait3A_62 = arith.constant 0 : i32
      %dma_wait3A_63 = tpu.memref_slice %arg7[%dma_wait3A_61, %dma_wait3A_62] : memref<800x16xf32, #tpu.memory_space<vmem>> -> memref<80x16xf32, #tpu.memory_space<vmem>>
      %dma_wait3A_64 = arith.constant 560 : i32
      %dma_wait3A_65 = tpu.memref_slice %arg9[%dma_wait3A_64] : memref<800xi32, #tpu.memory_space<vmem>> -> memref<80xi32, #tpu.memory_space<vmem>>
      %dma_wait3A_66 = arith.constant 0 : i32
      %dma_wait3A_67 = arith.constant 0 : i32
      %dma_wait3A_68 = tpu.memref_slice %arg6[%dma_wait3A_66, %dma_wait3A_67] : memref<100352x16xf32, #tpu.memory_space<vmem_shared>> -> memref<100352x16xf32, #tpu.memory_space<vmem_shared>>
      tpu.wait_indirect_dma semaphore(%run_scoped3A : memref<!tpu.dma_semaphore, #tpu.memory_space<semaphore_mem>>) src(%dma_wait3A_63 : memref<80x16xf32, #tpu.memory_space<vmem>>) dst(%dma_wait3A_68 : memref<100352x16xf32, #tpu.memory_space<vmem_shared>>)
      tpu.yield
    }) : () -> ()
    "tpu.region"() ({
      %run_scoped3A = tpu.sem_alloc : memref<!tpu.dma_semaphore, #tpu.memory_space<semaphore_mem>>
      %dma_start3A_53 = arith.constant 640 : i32
      %dma_start3A_54 = arith.constant 0 : i32
      %dma_start3A_55 = tpu.memref_slice %arg7[%dma_start3A_53, %dma_start3A_54] : memref<800x16xf32, #tpu.memory_space<vmem>> -> memref<80x16xf32, #tpu.memory_space<vmem>>
      %dma_start3A_56 = arith.constant 640 : i32
      %dma_start3A_57 = tpu.memref_slice %arg9[%dma_start3A_56] : memref<800xi32, #tpu.memory_space<vmem>> -> memref<80xi32, #tpu.memory_space<vmem>>
      %dma_start3A_58 = arith.constant 0 : i32
      %dma_start3A_59 = arith.constant 0 : i32
      %dma_start3A_60 = tpu.memref_slice %arg6[%dma_start3A_58, %dma_start3A_59] : memref<100352x16xf32, #tpu.memory_space<vmem_shared>> -> memref<100352x16xf32, #tpu.memory_space<vmem_shared>>
      tpu.enqueue_indirect_dma source(%dma_start3A_55 : memref<80x16xf32, #tpu.memory_space<vmem>>) target(%dma_start3A_60 : memref<100352x16xf32, #tpu.memory_space<vmem_shared>>) offsets(%dma_start3A_57 : memref<80xi32, #tpu.memory_space<vmem>>) semaphore(%run_scoped3A : memref<!tpu.dma_semaphore, #tpu.memory_space<semaphore_mem>>) {add = true}
      %dma_wait3A_61 = arith.constant 640 : i32
      %dma_wait3A_62 = arith.constant 0 : i32
      %dma_wait3A_63 = tpu.memref_slice %arg7[%dma_wait3A_61, %dma_wait3A_62] : memref<800x16xf32, #tpu.memory_space<vmem>> -> memref<80x16xf32, #tpu.memory_space<vmem>>
      %dma_wait3A_64 = arith.constant 640 : i32
      %dma_wait3A_65 = tpu.memref_slice %arg9[%dma_wait3A_64] : memref<800xi32, #tpu.memory_space<vmem>> -> memref<80xi32, #tpu.memory_space<vmem>>
      %dma_wait3A_66 = arith.constant 0 : i32
      %dma_wait3A_67 = arith.constant 0 : i32
      %dma_wait3A_68 = tpu.memref_slice %arg6[%dma_wait3A_66, %dma_wait3A_67] : memref<100352x16xf32, #tpu.memory_space<vmem_shared>> -> memref<100352x16xf32, #tpu.memory_space<vmem_shared>>
      tpu.wait_indirect_dma semaphore(%run_scoped3A : memref<!tpu.dma_semaphore, #tpu.memory_space<semaphore_mem>>) src(%dma_wait3A_63 : memref<80x16xf32, #tpu.memory_space<vmem>>) dst(%dma_wait3A_68 : memref<100352x16xf32, #tpu.memory_space<vmem_shared>>)
      tpu.yield
    }) : () -> ()
    "tpu.region"() ({
      %run_scoped3A = tpu.sem_alloc : memref<!tpu.dma_semaphore, #tpu.memory_space<semaphore_mem>>
      %dma_start3A_53 = arith.constant 720 : i32
      %dma_start3A_54 = arith.constant 0 : i32
      %dma_start3A_55 = tpu.memref_slice %arg7[%dma_start3A_53, %dma_start3A_54] : memref<800x16xf32, #tpu.memory_space<vmem>> -> memref<80x16xf32, #tpu.memory_space<vmem>>
      %dma_start3A_56 = arith.constant 720 : i32
      %dma_start3A_57 = tpu.memref_slice %arg9[%dma_start3A_56] : memref<800xi32, #tpu.memory_space<vmem>> -> memref<80xi32, #tpu.memory_space<vmem>>
      %dma_start3A_58 = arith.constant 0 : i32
      %dma_start3A_59 = arith.constant 0 : i32
      %dma_start3A_60 = tpu.memref_slice %arg6[%dma_start3A_58, %dma_start3A_59] : memref<100352x16xf32, #tpu.memory_space<vmem_shared>> -> memref<100352x16xf32, #tpu.memory_space<vmem_shared>>
      tpu.enqueue_indirect_dma source(%dma_start3A_55 : memref<80x16xf32, #tpu.memory_space<vmem>>) target(%dma_start3A_60 : memref<100352x16xf32, #tpu.memory_space<vmem_shared>>) offsets(%dma_start3A_57 : memref<80xi32, #tpu.memory_space<vmem>>) semaphore(%run_scoped3A : memref<!tpu.dma_semaphore, #tpu.memory_space<semaphore_mem>>) {add = true}
      %dma_wait3A_61 = arith.constant 720 : i32
      %dma_wait3A_62 = arith.constant 0 : i32
      %dma_wait3A_63 = tpu.memref_slice %arg7[%dma_wait3A_61, %dma_wait3A_62] : memref<800x16xf32, #tpu.memory_space<vmem>> -> memref<80x16xf32, #tpu.memory_space<vmem>>
      %dma_wait3A_64 = arith.constant 720 : i32
      %dma_wait3A_65 = tpu.memref_slice %arg9[%dma_wait3A_64] : memref<800xi32, #tpu.memory_space<vmem>> -> memref<80xi32, #tpu.memory_space<vmem>>
      %dma_wait3A_66 = arith.constant 0 : i32
      %dma_wait3A_67 = arith.constant 0 : i32
      %dma_wait3A_68 = tpu.memref_slice %arg6[%dma_wait3A_66, %dma_wait3A_67] : memref<100352x16xf32, #tpu.memory_space<vmem_shared>> -> memref<100352x16xf32, #tpu.memory_space<vmem_shared>>
      tpu.wait_indirect_dma semaphore(%run_scoped3A : memref<!tpu.dma_semaphore, #tpu.memory_space<semaphore_mem>>) src(%dma_wait3A_63 : memref<80x16xf32, #tpu.memory_space<vmem>>) dst(%dma_wait3A_68 : memref<100352x16xf32, #tpu.memory_space<vmem_shared>>)
      tpu.yield
    }) : () -> ()
    %barrier3A_43 = arith.constant 0 : index
    tpu.barrier barrier_id(%barrier3A_43)
    %mul3A_44 = arith.constant 6272 : i32
    %mul3A_45 = arith.muli %arg1, %mul3A_44 : i32
    %eq3A = arith.constant 0 : i32
    %eq3A_46 = arith.cmpi eq, %arg0, %eq3A : i32
    %convert_element_type3A = arith.extui %eq3A_46 : i1 to i32
    %cond3A = arith.constant 0 : i32
    %cond3A_47 = arith.cmpi ne, %convert_element_type3A, %cond3A : i32
    scf.if %cond3A_47 {
      %lt3A = arith.constant 15 : i32
      %lt3A_53 = arith.cmpi slt, %arg1, %lt3A : i32
      %convert_element_type3A_54 = arith.extui %lt3A_53 : i1 to i32
      %cond3A_55 = arith.constant 0 : i32
      %cond3A_56 = arith.cmpi ne, %convert_element_type3A_54, %cond3A_55 : i32
      scf.if %cond3A_56 {
        "tpu.region"() ({
          %run_scoped3A = tpu.sem_alloc : memref<!tpu.dma_semaphore, #tpu.memory_space<semaphore_mem>>
          %dma_start3A_62 = arith.constant 0 : i32
          %dma_start3A_63 = tpu.memref_slice %arg4[%mul3A_45, %dma_start3A_62] : memref<100000x16xf32, #tpu.memory_space<hbm>> -> memref<6272x16xf32, #tpu.memory_space<hbm>>
          %dma_start3A_64 = arith.constant 0 : i32
          %dma_start3A_65 = tpu.memref_slice %arg6[%mul3A_45, %dma_start3A_64] : memref<100352x16xf32, #tpu.memory_space<vmem_shared>> -> memref<6272x16xf32, #tpu.memory_space<vmem_shared>>
          tpu.enqueue_dma source(%dma_start3A_65 : memref<6272x16xf32, #tpu.memory_space<vmem_shared>>) target(%dma_start3A_63 : memref<6272x16xf32, #tpu.memory_space<hbm>>) target_semaphore(%run_scoped3A : memref<!tpu.dma_semaphore, #tpu.memory_space<semaphore_mem>>)
          %dma_wait3A_66 = arith.constant 0 : i32
          %dma_wait3A_67 = tpu.memref_slice %arg4[%mul3A_45, %dma_wait3A_66] : memref<100000x16xf32, #tpu.memory_space<hbm>> -> memref<6272x16xf32, #tpu.memory_space<hbm>>
          %dma_wait3A_68 = arith.constant 0 : i32
          %dma_wait3A_69 = tpu.memref_slice %arg6[%mul3A_45, %dma_wait3A_68] : memref<100352x16xf32, #tpu.memory_space<vmem_shared>> -> memref<6272x16xf32, #tpu.memory_space<vmem_shared>>
          tpu.wait_dma2 semaphore(%run_scoped3A : memref<!tpu.dma_semaphore, #tpu.memory_space<semaphore_mem>>) src(%dma_wait3A_69 : memref<6272x16xf32, #tpu.memory_space<vmem_shared>>) dst(%dma_wait3A_67 : memref<6272x16xf32, #tpu.memory_space<hbm>>)
          tpu.yield
        }) : () -> ()
      } else {
      }
      %eq3A_57 = arith.constant 15 : i32
      %eq3A_58 = arith.cmpi eq, %arg1, %eq3A_57 : i32
      %convert_element_type3A_59 = arith.extui %eq3A_58 : i1 to i32
      %cond3A_60 = arith.constant 0 : i32
      %cond3A_61 = arith.cmpi ne, %convert_element_type3A_59, %cond3A_60 : i32
      scf.if %cond3A_61 {
        "tpu.region"() ({
          %run_scoped3A = tpu.sem_alloc : memref<!tpu.dma_semaphore, #tpu.memory_space<semaphore_mem>>
          %dma_start3A_62 = arith.constant 0 : i32
          %dma_start3A_63 = tpu.memref_slice %arg4[%mul3A_45, %dma_start3A_62] : memref<100000x16xf32, #tpu.memory_space<hbm>> -> memref<5920x16xf32, #tpu.memory_space<hbm>>
          %dma_start3A_64 = arith.constant 0 : i32
          %dma_start3A_65 = tpu.memref_slice %arg6[%mul3A_45, %dma_start3A_64] : memref<100352x16xf32, #tpu.memory_space<vmem_shared>> -> memref<5920x16xf32, #tpu.memory_space<vmem_shared>>
          tpu.enqueue_dma source(%dma_start3A_65 : memref<5920x16xf32, #tpu.memory_space<vmem_shared>>) target(%dma_start3A_63 : memref<5920x16xf32, #tpu.memory_space<hbm>>) target_semaphore(%run_scoped3A : memref<!tpu.dma_semaphore, #tpu.memory_space<semaphore_mem>>)
          %dma_wait3A_66 = arith.constant 0 : i32
          %dma_wait3A_67 = tpu.memref_slice %arg4[%mul3A_45, %dma_wait3A_66] : memref<100000x16xf32, #tpu.memory_space<hbm>> -> memref<5920x16xf32, #tpu.memory_space<hbm>>
          %dma_wait3A_68 = arith.constant 0 : i32
          %dma_wait3A_69 = tpu.memref_slice %arg6[%mul3A_45, %dma_wait3A_68] : memref<100352x16xf32, #tpu.memory_space<vmem_shared>> -> memref<5920x16xf32, #tpu.memory_space<vmem_shared>>
          tpu.wait_dma2 semaphore(%run_scoped3A : memref<!tpu.dma_semaphore, #tpu.memory_space<semaphore_mem>>) src(%dma_wait3A_69 : memref<5920x16xf32, #tpu.memory_space<vmem_shared>>) dst(%dma_wait3A_67 : memref<5920x16xf32, #tpu.memory_space<hbm>>)
          tpu.yield
        }) : () -> ()
      } else {
      }
    } else {
    }
    %eq3A_48 = arith.constant 1 : i32
    %eq3A_49 = arith.cmpi eq, %arg0, %eq3A_48 : i32
    %convert_element_type3A_50 = arith.extui %eq3A_49 : i1 to i32
    %cond3A_51 = arith.constant 0 : i32
    %cond3A_52 = arith.cmpi ne, %convert_element_type3A_50, %cond3A_51 : i32
    scf.if %cond3A_52 {
      %lt3A = arith.constant 15 : i32
      %lt3A_53 = arith.cmpi slt, %arg1, %lt3A : i32
      %convert_element_type3A_54 = arith.extui %lt3A_53 : i1 to i32
      %cond3A_55 = arith.constant 0 : i32
      %cond3A_56 = arith.cmpi ne, %convert_element_type3A_54, %cond3A_55 : i32
      scf.if %cond3A_56 {
        "tpu.region"() ({
          %run_scoped3A = tpu.sem_alloc : memref<!tpu.dma_semaphore, #tpu.memory_space<semaphore_mem>>
          %dma_start3A_62 = arith.constant 0 : i32
          %dma_start3A_63 = tpu.memref_slice %arg5[%mul3A_45, %dma_start3A_62] : memref<100000x16xf32, #tpu.memory_space<hbm>> -> memref<6272x16xf32, #tpu.memory_space<hbm>>
          %dma_start3A_64 = arith.constant 0 : i32
          %dma_start3A_65 = tpu.memref_slice %arg6[%mul3A_45, %dma_start3A_64] : memref<100352x16xf32, #tpu.memory_space<vmem_shared>> -> memref<6272x16xf32, #tpu.memory_space<vmem_shared>>
          tpu.enqueue_dma source(%dma_start3A_65 : memref<6272x16xf32, #tpu.memory_space<vmem_shared>>) target(%dma_start3A_63 : memref<6272x16xf32, #tpu.memory_space<hbm>>) target_semaphore(%run_scoped3A : memref<!tpu.dma_semaphore, #tpu.memory_space<semaphore_mem>>)
          %dma_wait3A_66 = arith.constant 0 : i32
          %dma_wait3A_67 = tpu.memref_slice %arg5[%mul3A_45, %dma_wait3A_66] : memref<100000x16xf32, #tpu.memory_space<hbm>> -> memref<6272x16xf32, #tpu.memory_space<hbm>>
          %dma_wait3A_68 = arith.constant 0 : i32
          %dma_wait3A_69 = tpu.memref_slice %arg6[%mul3A_45, %dma_wait3A_68] : memref<100352x16xf32, #tpu.memory_space<vmem_shared>> -> memref<6272x16xf32, #tpu.memory_space<vmem_shared>>
          tpu.wait_dma2 semaphore(%run_scoped3A : memref<!tpu.dma_semaphore, #tpu.memory_space<semaphore_mem>>) src(%dma_wait3A_69 : memref<6272x16xf32, #tpu.memory_space<vmem_shared>>) dst(%dma_wait3A_67 : memref<6272x16xf32, #tpu.memory_space<hbm>>)
          tpu.yield
        }) : () -> ()
      } else {
      }
      %eq3A_57 = arith.constant 15 : i32
      %eq3A_58 = arith.cmpi eq, %arg1, %eq3A_57 : i32
      %convert_element_type3A_59 = arith.extui %eq3A_58 : i1 to i32
      %cond3A_60 = arith.constant 0 : i32
      %cond3A_61 = arith.cmpi ne, %convert_element_type3A_59, %cond3A_60 : i32
      scf.if %cond3A_61 {
        "tpu.region"() ({
          %run_scoped3A = tpu.sem_alloc : memref<!tpu.dma_semaphore, #tpu.memory_space<semaphore_mem>>
          %dma_start3A_62 = arith.constant 0 : i32
          %dma_start3A_63 = tpu.memref_slice %arg5[%mul3A_45, %dma_start3A_62] : memref<100000x16xf32, #tpu.memory_space<hbm>> -> memref<5920x16xf32, #tpu.memory_space<hbm>>
          %dma_start3A_64 = arith.constant 0 : i32
          %dma_start3A_65 = tpu.memref_slice %arg6[%mul3A_45, %dma_start3A_64] : memref<100352x16xf32, #tpu.memory_space<vmem_shared>> -> memref<5920x16xf32, #tpu.memory_space<vmem_shared>>
          tpu.enqueue_dma source(%dma_start3A_65 : memref<5920x16xf32, #tpu.memory_space<vmem_shared>>) target(%dma_start3A_63 : memref<5920x16xf32, #tpu.memory_space<hbm>>) target_semaphore(%run_scoped3A : memref<!tpu.dma_semaphore, #tpu.memory_space<semaphore_mem>>)
          %dma_wait3A_66 = arith.constant 0 : i32
          %dma_wait3A_67 = tpu.memref_slice %arg5[%mul3A_45, %dma_wait3A_66] : memref<100000x16xf32, #tpu.memory_space<hbm>> -> memref<5920x16xf32, #tpu.memory_space<hbm>>
          %dma_wait3A_68 = arith.constant 0 : i32
          %dma_wait3A_69 = tpu.memref_slice %arg6[%mul3A_45, %dma_wait3A_68] : memref<100352x16xf32, #tpu.memory_space<vmem_shared>> -> memref<5920x16xf32, #tpu.memory_space<vmem_shared>>
          tpu.wait_dma2 semaphore(%run_scoped3A : memref<!tpu.dma_semaphore, #tpu.memory_space<semaphore_mem>>) src(%dma_wait3A_69 : memref<5920x16xf32, #tpu.memory_space<vmem_shared>>) dst(%dma_wait3A_67 : memref<5920x16xf32, #tpu.memory_space<hbm>>)
          tpu.yield
        }) : () -> ()
      } else {
      }
    } else {
    }
    return
  }
}

module attributes {stable_mosaic.version = 14 : i64} {
  func.func @_mm_body(%arg0: i32, %arg1: memref<1000x16xf32, #tpu.memory_space<vmem>>, %arg2: memref<1000x16xf32, #tpu.memory_space<vmem>>, %arg3: memref<1000x128xf32, #tpu.memory_space<vmem>>, %arg4: memref<16x128xf32, #tpu.memory_space<vmem>>, %arg5: memref<16x128xf32, #tpu.memory_space<vmem>>, %arg6: memref<128x128xf32, #tpu.memory_space<vmem>>, %arg7: memref<1x128xf32, #tpu.memory_space<vmem>>, %arg8: memref<1000x128xf32, #tpu.memory_space<vmem>>) attributes {dimension_semantics = [#tpu.dimension_semantics<arbitrary>], iteration_bounds = array<i64: 100>, scalar_prefetch = 0 : i64, scratch_operands = 0 : i64, tpu.core_type = #tpu.core_type<tc>, window_params = [{transform_indices = @transform_0, window_bounds = array<i64: 1000, 16>}, {transform_indices = @transform_1, window_bounds = array<i64: 1000, 16>}, {transform_indices = @transform_2, window_bounds = array<i64: 1000, 128>}, {pipeline_mode = #tpu.pipeline_mode<synchronous>, transform_indices = @transform_3, window_bounds = array<i64: 16, 128>}, {pipeline_mode = #tpu.pipeline_mode<synchronous>, transform_indices = @transform_4, window_bounds = array<i64: 16, 128>}, {pipeline_mode = #tpu.pipeline_mode<synchronous>, transform_indices = @transform_5, window_bounds = array<i64: 128, 128>}, {pipeline_mode = #tpu.pipeline_mode<synchronous>, transform_indices = @transform_6, window_bounds = array<i64: 1, 128>}, {transform_indices = @transform_7, window_bounds = array<i64: 1000, 128>}]} {
    %get3A = arith.constant 0 : index
    %get3A_0 = arith.constant 0 : index
    %get3A_1 = vector.load %arg1[%get3A, %get3A_0] : memref<1000x16xf32, #tpu.memory_space<vmem>>, vector<1000x16xf32>
    %get3A_2 = arith.constant 0 : index
    %get3A_3 = arith.constant 0 : index
    %get3A_4 = vector.load %arg4[%get3A_2, %get3A_3] : memref<16x128xf32, #tpu.memory_space<vmem>>, vector<16x128xf32>
    %dot_general3A = arith.constant dense<0.000000e+00> : vector<1000x128xf32>
    %dot_general3A_5 = tpu.matmul %get3A_1, %get3A_4, %dot_general3A {dimension_numbers = #tpu.dot_dimension_numbers<[1], [0], [0], [1], [0, 0, 1, 1], [], []>, transpose_lhs_hint = false} : vector<1000x16xf32>, vector<16x128xf32>, vector<1000x128xf32> -> vector<1000x128xf32>
    %get3A_6 = arith.constant 0 : index
    %get3A_7 = arith.constant 0 : index
    %get3A_8 = vector.load %arg2[%get3A_6, %get3A_7] : memref<1000x16xf32, #tpu.memory_space<vmem>>, vector<1000x16xf32>
    %get3A_9 = arith.constant 0 : index
    %get3A_10 = arith.constant 0 : index
    %get3A_11 = vector.load %arg5[%get3A_9, %get3A_10] : memref<16x128xf32, #tpu.memory_space<vmem>>, vector<16x128xf32>
    %dot_general3A_12 = arith.constant dense<0.000000e+00> : vector<1000x128xf32>
    %dot_general3A_13 = tpu.matmul %get3A_8, %get3A_11, %dot_general3A_12 {dimension_numbers = #tpu.dot_dimension_numbers<[1], [0], [0], [1], [0, 0, 1, 1], [], []>, transpose_lhs_hint = false} : vector<1000x16xf32>, vector<16x128xf32>, vector<1000x128xf32> -> vector<1000x128xf32>
    %add3A = arith.addf %dot_general3A_5, %dot_general3A_13 : vector<1000x128xf32>
    %get3A_14 = arith.constant 0 : index
    %get3A_15 = arith.constant 0 : index
    %get3A_16 = vector.load %arg3[%get3A_14, %get3A_15] : memref<1000x128xf32, #tpu.memory_space<vmem>>, vector<1000x128xf32>
    %get3A_17 = arith.constant 0 : index
    %get3A_18 = arith.constant 0 : index
    %get3A_19 = vector.load %arg6[%get3A_17, %get3A_18] : memref<128x128xf32, #tpu.memory_space<vmem>>, vector<128x128xf32>
    %dot_general3A_20 = arith.constant dense<0.000000e+00> : vector<1000x128xf32>
    %dot_general3A_21 = tpu.matmul %get3A_16, %get3A_19, %dot_general3A_20 {dimension_numbers = #tpu.dot_dimension_numbers<[1], [0], [0], [1], [0, 0, 1, 1], [], []>, transpose_lhs_hint = false} : vector<1000x128xf32>, vector<128x128xf32>, vector<1000x128xf32> -> vector<1000x128xf32>
    %add3A_22 = arith.addf %add3A, %dot_general3A_21 : vector<1000x128xf32>
    %get3A_23 = arith.constant 0 : index
    %get3A_24 = arith.constant 0 : index
    %get3A_25 = vector.load %arg7[%get3A_23, %get3A_24] : memref<1x128xf32, #tpu.memory_space<vmem>>, vector<1x128xf32>
    %add3A_26 = vector.broadcast %get3A_25 : vector<1x128xf32> to vector<1000x128xf32>
    %add3A_27 = arith.addf %add3A_22, %add3A_26 : vector<1000x128xf32>
    %max3A = arith.constant 0.000000e+00 : f32
    %max3A_28 = vector.broadcast %max3A : f32 to vector<1000x128xf32>
    %max3A_29 = arith.maximumf %add3A_27, %max3A_28 : vector<1000x128xf32>
    %swap3A = arith.constant 0 : index
    %swap3A_30 = arith.constant 0 : index
    %swap3A_31 = vector.load %arg8[%swap3A, %swap3A_30] : memref<1000x128xf32, #tpu.memory_space<vmem>>, vector<1000x128xf32>
    tpu.vector_store %arg8[%swap3A, %swap3A_30], %max3A_29 {strides = array<i32>} : memref<1000x128xf32, #tpu.memory_space<vmem>>, vector<1000x128xf32>,
    return
  }
  func.func @transform_0(%arg0: i32) -> (i32, i32) {
    %c0_i32 = arith.constant 0 : i32
    %c0_i32_0 = arith.constant 0 : i32
    return %arg0, %c0_i32 : i32, i32
  }
  func.func @transform_1(%arg0: i32) -> (i32, i32) {
    %c0_i32 = arith.constant 0 : i32
    %c0_i32_0 = arith.constant 0 : i32
    return %arg0, %c0_i32 : i32, i32
  }
  func.func @transform_2(%arg0: i32) -> (i32, i32) {
    %c0_i32 = arith.constant 0 : i32
    %c0_i32_0 = arith.constant 0 : i32
    return %arg0, %c0_i32 : i32, i32
  }
  func.func @transform_3(%arg0: i32) -> (i32, i32) {
    %c0_i32 = arith.constant 0 : i32
    %c0_i32_0 = arith.constant 0 : i32
    %c0_i32_1 = arith.constant 0 : i32
    return %c0_i32, %c0_i32_0 : i32, i32
  }
  func.func @transform_4(%arg0: i32) -> (i32, i32) {
    %c0_i32 = arith.constant 0 : i32
    %c0_i32_0 = arith.constant 0 : i32
    %c0_i32_1 = arith.constant 0 : i32
    return %c0_i32, %c0_i32_0 : i32, i32
  }
  func.func @transform_5(%arg0: i32) -> (i32, i32) {
    %c0_i32 = arith.constant 0 : i32
    %c0_i32_0 = arith.constant 0 : i32
    %c0_i32_1 = arith.constant 0 : i32
    return %c0_i32, %c0_i32_0 : i32, i32
  }
  func.func @transform_6(%arg0: i32) -> (i32, i32) {
    %c0_i32 = arith.constant 0 : i32
    %c0_i32_0 = arith.constant 0 : i32
    %c0_i32_1 = arith.constant 0 : i32
    return %c0_i32, %c0_i32_0 : i32, i32
  }
  func.func @transform_7(%arg0: i32) -> (i32, i32) {
    %c0_i32 = arith.constant 0 : i32
    %c0_i32_0 = arith.constant 0 : i32
    return %arg0, %c0_i32 : i32, i32
  }
}

</mosaic_0001>

<sc_bundles>
// kernel: kernel.4.cloned.1.call-start
scs
__scs_entry_jumppad:
0x0: {  	(pc) =	sbr.rel $0x88, $3  }
0x1: {  	(tag) =	ssettag $0x0;
	lr =	simm.s32 $0x1  }
0x2: {  	[smem:$0x3F9C] =	sst lr;
	_ =	strace $0xD0000000  }
0x3: {  	_ = 	snop  }
0x4: {  	_ = 	snop  }
0x5: {  	_ = 	snop  }
0x6: {  	_ = 	snop  }
0x7: {  	_ = 	snop  }
__scs_overlays_trampoline_lowered:
0x8: {  	[smem:$0x3FAB] =	sst s0  }
0x9: {  	[smem:$0x3FAC] =	sst s1  }
0xa: {  	[smem:$0x3FAD] =	sst s2  }
0xb: {  	[smem:$0x3FAE] =	sst s3  }
0xc: {  	[smem:$0x3FAF] =	sst s4  }
0xd: {  	[smem:$0x3FB0] =	sst s5  }
0xe: {  	[smem:$0x3FB1] =	sst s6  }
0xf: {  	[smem:$0x3FB2] =	sst s7  }
0x10: {  	[smem:$0x3FB3] =	sst s8  }
0x11: {  	[smem:$0x3FB4] =	sst s9;
	s0 =	simm.s32 @!p0 $0x0  }
0x12: {  	s1 =	sld [smem:$0x3F9A];
	s0 =	simm.s32 @p0 $0x1  }
0x13: {  	[smem:$0x3FB5] =	sst s0;
	s0 =	simm.s32 @!p1 $0x0  }
0x14: {  	s2 =	sld [smem:$0x3F99];
	s0 =	simm.s32 @p1 $0x1  }
0x15: {  	[smem:$0x3FB6] =	sst s0;
	s0 =	simm.s32 @!p2 $0x0  }
0x16: {  	s3 =	sld [smem:$0x3FDB];
	s0 =	simm.s32 @p2 $0x1  }
0x17: {  	s4 =	simm.s32 $0x1BF5;
	[smem:$0x3FB8] =	sst s0  }
0x18: {  	s0 =	sld [smem:$0x3F9B];
	_ =	swait.ge [sflag:s4], $0x0  }
0x19: {  	s7 =	sld [smem:$0x3F9C]  }
0x1a: {  	s8 =	sadd.s32 $0xFFFFE003, lr  }
0x1b: {  	s9 =	sadd.s32 $0xFFFFFEF7, lr;
	s5 =	simm.s32 $0xFFFFFFFF;
	p2 =	slt.u32 s8, $0xFFFFF086  }
0x1c: {  	p1 =	slt.u32 s9, $0xF7A;
	s5 =	simm.s32 @!p2 $0x0  }
0x1d: {  	s5 =	simm.s32 @p1 $0x1;
	p0 =	seq.s32 s7, s2  }
0x1e: {  	s7 =	smul.u32 @!p0 $0xF7A, s2;
	p2 =	seq.s32 @!p0 s5, $0x0  }
0x1f: {  	s9 =	smul.u32 $0xF7A, s1;
	s8 =	simm.s32 @!p0 $0x1BF5;
	p2 =	por !p2, p0  }
0x20: {  	[sflag:s8] =	ssyncset.s32 @!p0 $0xFFFFF086;
	s6 =	sadd.s32 @!p0 s3, s7;
	s7 =	simm.s32 @!p0 $0x108  }
0x21: {  	s3 =	sadd.s32 s3, s9;
	s6 =	sadd.s32 @!p0 $0x88, s6;
	s7 =	simm.s32 @p2 $0x1082  }
0x22: {  	[simem:s7], [sflag:s8] =	dma.local @!p0 [hbm:s6], $0xF7A  }
0x23: {  	s9 =	sor.u32 $0xD0000000, s2;
	s6 =	simm.s32 $0x108;
	_ =	swait.ge @!p0 [sflag:s8], $0x0  }
0x24: {  	s3 =	sadd.s32 $0x88, s3;
	s6 =	simm.s32 @!p1 $0x1082;
	[sflag:s4] =	ssyncset.s32 $0xFFFFF086  }
0x25: {  	[simem:s6], [sflag:s4] =	dma.local [hbm:s3], $0xF7A  }
0x26: {  	[smem:$0x3F9C] =	sst s1;
	(tag) =	ssettag s2;
	_ =	strace s9  }
0x27: {  	s1 =	sld [smem:$0x3FAC]  }
0x28: {  	s2 =	sld [smem:$0x3FAD]  }
0x29: {  	s4 =	sld [smem:$0x3FAF]  }
0x2a: {  	p0 =	seq.s32 s5, $0x0;
	s5 =	sld [smem:$0x3FB0]  }
0x2b: {  	s6 =	sld [smem:$0x3FB1]  }
0x2c: {  	s7 =	sld [smem:$0x3FB2]  }
0x2d: {  	s3 =	simm.s32 $0x108;
	s8 =	sld [smem:$0x3FB3]  }
0x2e: {  	s3 =	simm.s32 @!p0 $0x1082;
	s9 =	sld [smem:$0x3FB4]  }
0x2f: {  	lr =	sadd.s32 s0, s3;
	s0 =	sld [smem:$0x3FAB]  }
0x30: {  	s3 =	sld [smem:$0x3FAE]  }
0x31: {  	[smem:$0x3FB7] =	sst s10  }
0x32: {  	s10 =	sld [smem:$0x3FB5];
	_ =	sdelay $0x3  }
0x33: {  	p0 =	seq.s32 s10, $0x1;
	s10 =	sld [smem:$0x3FB7];
	_ =	sdelay $0x3  }
0x34: {  	[smem:$0x3FB7] =	sst s10  }
0x35: {  	s10 =	sld [smem:$0x3FB6];
	_ =	sdelay $0x3  }
0x36: {  	p1 =	seq.s32 s10, $0x1;
	s10 =	sld [smem:$0x3FB7];
	_ =	sdelay $0x3  }
0x37: {  	[smem:$0x3FB7] =	sst s10  }
0x38: {  	s10 =	sld [smem:$0x3FB8]  }
0x39: {  	_ = 	snop;
	(pc) =	sbr.ind lr, $3  }
0x3a: {  	_ = 	snop  }
0x3b: {  	_ = 	snop  }
0x3c: {  	p2 =	seq.s32 s10, $0x1;
	s10 =	sld [smem:$0x3FB7]  }
0x3d: {  	_ =	shalt  }
0x3e: {  	_ =	shalt  }
0x3f: {  	_ =	shalt  }
0x40: {  	_ =	shalt  }
0x41: {  	_ =	shalt  }
0x42: {  	_ =	shalt  }
0x43: {  	_ =	shalt  }
0x44: {  	_ =	shalt  }
0x45: {  	_ =	shalt  }
0x46: {  	_ =	shalt  }
0x47: {  	_ =	shalt  }
0x48: {  	_ =	shalt  }
0x49: {  	_ =	shalt  }
0x4a: {  	_ =	shalt  }
0x4b: {  	_ =	shalt  }
0x4c: {  	_ =	shalt  }
0x4d: {  	_ =	shalt  }
0x4e: {  	_ =	shalt  }
0x4f: {  	_ =	shalt  }
0x50: {  	_ =	shalt  }
0x51: {  	_ =	shalt  }
0x52: {  	_ =	shalt  }
0x53: {  	_ =	shalt  }
0x54: {  	_ =	shalt  }
0x55: {  	_ =	shalt  }
0x56: {  	_ =	shalt  }
0x57: {  	_ =	shalt  }
0x58: {  	_ =	shalt  }
0x59: {  	_ =	shalt  }
0x5a: {  	_ =	shalt  }
0x5b: {  	_ =	shalt  }
0x5c: {  	_ =	shalt  }
0x5d: {  	_ =	shalt  }
0x5e: {  	_ =	shalt  }
0x5f: {  	_ =	shalt  }
0x60: {  	_ =	shalt  }
0x61: {  	_ =	shalt  }
0x62: {  	_ =	shalt  }
0x63: {  	_ =	shalt  }
0x64: {  	_ =	shalt  }
0x65: {  	_ =	shalt  }
0x66: {  	_ =	shalt  }
0x67: {  	_ =	shalt  }
0x68: {  	_ =	shalt  }
0x69: {  	_ =	shalt  }
0x6a: {  	_ =	shalt  }
0x6b: {  	_ =	shalt  }
0x6c: {  	_ =	shalt  }
0x6d: {  	_ =	shalt  }
0x6e: {  	_ =	shalt  }
0x6f: {  	_ =	shalt  }
0x70: {  	_ =	shalt  }
0x71: {  	_ =	shalt  }
0x72: {  	_ =	shalt  }
0x73: {  	_ =	shalt  }
0x74: {  	_ =	shalt  }
0x75: {  	_ =	shalt  }
0x76: {  	_ =	shalt  }
0x77: {  	_ =	shalt  }
0x78: {  	_ =	shalt  }
0x79: {  	_ =	shalt  }
0x7a: {  	_ =	shalt  }
0x7b: {  	_ =	shalt  }
0x7c: {  	_ =	shalt  }
0x7d: {  	_ =	shalt  }
0x7e: {  	_ =	shalt  }
0x7f: {  	_ =	shalt  }
0x80: {  	_ =	shalt  }
0x81: {  	_ =	shalt  }
0x82: {  	_ =	shalt  }
0x83: {  	_ =	shalt  }
0x84: {  	_ =	shalt  }
0x85: {  	_ =	shalt  }
0x86: {  	_ =	shalt  }
0x87: {  	_ =	shalt  }
.Lfunc_end0:
.L_simem_size_0:
called_computation_lowered:
.L_overlay_start_0:
0x88: {  	s2 =	sld [smem:$0x3FD9]  }
0x89: {  	s3 =	sld [smem:$0x3FFE];
	_ =	sdelay $0x1  }
0x8a: {  	s1 =	srdreg.scid  }
0x8b: {  	s0 =	sand.u32 $0x1, s1  }
0x8c: {  	s17 =	sshll.u32 s0, $0xA;
	s2 =	sadd.s32 s3, s2  }
0x8d: {  	s2 =	sadd.s32 s2, s17  }
0x8e: {  	[smem:$0x3FC3] =	sst s2  }
0x8f: {  	_ = 	snop  }
0x90: {  	s2 =	sld [smem:$0x3FD0];
	(tm) =	ssettm $0x1  }
0x91: {  	s18 =	sld [smem:$0x3FFB];
	_ =	sdelay $0x3  }
0x92: {  	_ =	strace s18  }
0x93: {  	s3 =	sld [smem:$0x3FFC];
	_ =	sdelay $0x3  }
0x94: {  	_ =	strace s3  }
0x95: {  	s3 =	sld [smem:$0x3FFD];
	_ =	sdelay $0x3  }
0x96: {  	_ =	strace s3  }
0x97: {  	_ =	strace $0x8FFFFFFF  }
0x98: {  	s19 =	sld [smem:$0x3FDB];
	_ =	sdelay $0x1  }
0x99: {  	s4 =	simm.s32 $_scs_section_size  }
0x9a: {  	s5 =	simm.s32 $_size__tile_overlayer_lowered;
	s6 =	simm.s32 $_tile_overlayer_lowered  }
0x9b: {  	s22 =	simm.s32 $0x1BFF;
	s21 =	sshll.u32 s6, $0x1;
	s3 =	sadd.s32 s4, s19  }
0x9c: {  	s7 =	simm.s32 $0x0;
	s20 =	sshll.u32 s5, $0x1;
	s5 =	sadd.s32 s21, s3  }
0x9d: {  	[timem:s7], [sflag:s22] =	dma.local [hbm:s5], s20  }
0x9e: {  	_ =	swait.ge [sflag:s22], s20  }
0x9f: {  	s4 =	ssub.s32 $0x0, s20;
	[sflag:s22] =	ssyncset.done $0x0  }
0xa0: {  	[sflag:s22] =	ssyncadd.s32 s4;
	_ =	sdelay $0x1  }
0xa1: {  	s23 =	simm.s32 $0x1B8B  }
0xa2: {  	_ =	swait.ge [sflag:s23], $0x1  }
0xa3: {  	[sflag:s23] =	ssyncset.done $0x0  }
0xa4: {  	s25 =	simm.s32 $0x1B8E;
	s24 =	sld [smem:$0x3FFE];
	[sflag:s23] =	ssyncadd.s32 $0xFFFFFFFF  }
0xa5: {  	s26 =	simm.s32 $execute0_lowered;
	[smem:$0x3FD2] =	sst s25  }
0xa6: {  	s5 =	sshll.u32 s26, $0x1;
	_ =	strace $0x80000046;
	[dreg:$0x1] =	wrdreg $0xFFFFFFFF  }
0xa7: {  	s28 =	simm.s32 $_size_execute0_lowered;
	s3 =	sadd.s32 s3, s5;
	[dreg:$0x0] =	wrdreg $0x0  }
0xa8: {  	s5 =	sshll.u32 s28, $0x1;
	[dreg:$0x2] =	wrdreg s3  }
0xa9: {  	[dreg:$0x3] =	wrdreg s5  }
0xaa: {  	[dreg:$0x4] =	wrdreg $0xC0  }
0xab: {  	_ =	task [dreg:s7], $0x5FFFF  }
0xac: {  	[dreg:$0x1] =	wrdreg $0xFFFFFFFF  }
0xad: {  	[dreg:$0x0] =	wrdreg $0x60  }
0xae: {  	[dreg:$0x2] =	wrdreg s24  }
0xaf: {  	[dreg:$0x3] =	wrdreg s2  }
0xb0: {  	[dreg:$0x4] =	wrdreg $0x0  }
0xb1: {  	[dreg:$0x5] =	wrdreg $0x9  }
0xb2: {  	_ =	task.clear_ibuf [dreg:s7], $0x6FFFF;
	_ =	strace $0x90000046  }
0xb3: {  	s29 =	simm.s32 $0x9;
	_ =	strace $0x80000048  }
0xb4: {  	_ =	swait.ge [sflag:s29], $0x1  }
0xb5: {  	[sflag:s29] =	ssyncadd.s32 $0xFFFFFFFF  }
0xb6: {  	_ =	strace $0x90000048  }
0xb7: {  	_ =	sfence  }
0xb8: {  	s30 =	sld [smem:$0x0];
	_ =	sdelay $0x2  }
0xb9: {  	s31 =	sshll.u32 s1, $0xD;
	s1 =	sshrl.u32 s1, $0x2  }
0xba: {  	s3 =	sand.u32 $0x4000, s31;
	s1 =	sadd.s32 s1, s30  }
0xbb: {  	s0 =	sor.u32 s3, s0;
	s1 =	sshll.u32 s1, $0x11  }
0xbc: {  	s0 =	sor.u32 s1, s0  }
0xbd: {  	s0 =	sadd.s32 $0x8F2B, s0  }
0xbe: {  	[sflag:s0] =	ssyncadd.remote.s32 $0x1  }
0xbf: {  	_ =	sfence.sel $0xFFFF  }
0xc0: {  	[dreg:$0x0] =	wrdreg $0xFFFFFFFF;
	(pc) =	sbr.abs _section_cstart, $3  }
0xc1: {  	[dreg:$0x1] =	wrdreg $0xFFFFFFFF  }
0xc2: {  	_ =	task.clear_ibuf [dreg:s7], $0x2FFFF;
	_ =	strace $0x9FFFFFFF  }
0xc3: {  	(tm) =	ssettm $0x7FFFFFFF  }
tec
execute0_lowered:
.L_overlay_start_1:
0x0: {  	(tag) =	ssettag $0x1  }
0x1: {  	s0 =	rddreg [dreg:$0x0]  }
0x2: {  	s22 =	rddreg [dreg:$0x1]  }
0x3: {  	s3 =	rddreg [dreg:$0x2]  }
0x4: {  	s11 =	stileid.u32;
	s2 =	srdreg.scid  }
0x5: {  	s4 =	simm.s32 $0x0;
	s16 =	simm.s32 $0x1EF70;
	s18 =	simm.s32 $0x1BF00  }
0x6: {  	s20 =	simm.s32 $0x1EFC0;
	[smem:$0x7FF] =	sst s4;
	s15 =	sadd.s32 $0x5FF00, s0  }
0x7: {  	s17 =	sadd.s32 $0x16F800, s3;
	_ =	strace $0x80000047;
	[dreg:$0x1b] =	wrdreg s15  }
0x8: {  	s21 =	simm.s32 $0x1C400;
	s24 =	simm.s32 $0x1F010;
	[dreg:$0x1c] =	wrdreg s17  }
0x9: {  	s28 =	simm.s32 $0x1BA00;
	s29 =	simm.s32 $0x1EF20;
	[dreg:$0x5] =	wrdreg s16  }
0xa: {  	s30 =	simm.s32 $0x1;
	s1 =	smul.u32 $0x30D40, s11;
	[dreg:$0x6] =	wrdreg s18  }
0xb: {  	s31 =	simm.s32 $0x50;
	s5 =	smul.u32 $0x18800, s11;
	[dreg:$0x7] =	wrdreg s20  }
0xc: {  	s2 =	sand.u32 $0x1, s2;
	s6 =	smul.u32 $0x186A0, s11;
	[dreg:$0x8] =	wrdreg s21  }
0xd: {  	s23 =	smul.u32 $0x62000, s11;
	[dreg:$0x9] =	wrdreg s24;
	s16 =	simm.s32 $0x1D800  }
0xe: {  	s7 =	sxor.u32 $0x1, s2;
	s18 =	simm.s32 $0x1F150;
	[dreg:$0x10] =	wrdreg s16  }
0xf: {  	s8 =	ssub.s32 $0x2, s2;
	s20 =	simm.s32 $0x1DD00;
	[dreg:$0x11] =	wrdreg s18  }
0x10: {  	s21 =	simm.s32 $0x1F1A0;
	s1 =	sadd.s32 s1, s0;
	[dreg:$0x12] =	wrdreg s20  }
0x11: {  	s9 =	sshrl.u32 s5, $0x3;
	s5 =	sadd.s32 s5, s3;
	[dreg:$0x13] =	wrdreg s21  }
0x12: {  	p3 =	seq.s32 s2, $0x1;
	s26 =	sadd.s32 $0x186B200, s1;
	[dreg:$0x1a] =	wrdreg s5  }
0x13: {  	s9 =	sadd.s32 s9, s0;
	s0 =	sadd.s32 $0x2F100, s0;
	[dreg:$0x17] =	wrdreg s26  }
0x14: {  	s7 =	smul.u32 $0x186A00, s7;
	s5 =	simm.s32 $0x1F060;
	[dreg:$0x1e] =	wrdreg s0  }
0x15: {  	s10 =	sshrl.u32 s8, $0x1;
	s1 =	sadd.s32 $0x186BE80, s1;
	[dreg:$0xb] =	wrdreg s5  }
0x16: {  	p1 =	seq.s32 @p3 s11, $0xF;
	s14 =	sadd.s32 $0x32000, s9;
	[smem:$0x7FC] =	sst s1  }
0x17: {  	s8 =	ssub.s32 s8, s10;
	s19 =	sadd.s32 $0x1200, s9;
	[dreg:$0x19] =	wrdreg s14  }
0x18: {  	p4 =	seq.s32 @!p3 s11, $0xF;
	s25 =	smax.u32 s8, $0x1;
	[dreg:$0x1d] =	wrdreg s19  }
0x19: {  	s16 =	simm.s32 $0x1ECF0;
	s26 =	simm.s32 $0x1C900;
	[dreg:$0x1f] =	wrdreg s25  }
0x1a: {  	s18 =	simm.s32 $0x1ED40;
	s9 =	simm.s32 $0x1F0B0;
	[dreg:$0xa] =	wrdreg s26  }
0x1b: {  	s6 =	sadd.s32 s6, s7;
	[dreg:$0xd] =	wrdreg s9;
	s14 =	simm.s32 $0x1F100  }
0x1c: {  	s20 =	simm.s32 $0x1ED90;
	s24 =	sadd.s32 $0x640, s6;
	[dreg:$0xf] =	wrdreg s14  }
0x1d: {  	s21 =	simm.s32 $0x1A100;
	s25 =	simm.s32 $0x1F1F0;
	[smem:$0x7FD] =	sst s24  }
0x1e: {  	s10 =	sshrl.u32 s6, $0x3;
	s26 =	simm.s32 $0x1E700;
	[dreg:$0x15] =	wrdreg s25  }
0x1f: {  	s12 =	sadd.s32 $0x320, s6;
	s7 =	sadd.s32 s22, s10;
	[dreg:$0x16] =	wrdreg s26  }
0x20: {  	s13 =	sshrl.u32 s12, $0x3;
	s12 =	simm.s32 $0x1D300;
	[dreg:$0x18] =	wrdreg s7  }
0x21: {  	s11 =	simm.s32 $0x1B500;
	s2 =	sadd.s32 s13, s22;
	[dreg:$0xe] =	wrdreg s12  }
0x22: {  	p0 =	por !p1, !p3;
	s7 =	simm.s32 $0x1CE00;
	[dreg:$0x4] =	wrdreg s2  }
0x23: {  	s2 =	sshrl.u32 s23, $0x2;
	[dreg:$0xc] =	wrdreg s7;
	s23 =	simm.s32 $0x1E200  }
0x24: {  	p1 =	por p1, !p3;
	s2 =	sadd.s32 s2, s3;
	[dreg:$0x14] =	wrdreg s23  }
0x25: {  	p2 =	por !p4, p3;
	s8 =	sadd.s32 $0x3100, s2;
	[smem:$0x7FA] =	sst s2  }
0x26: {  	p3 =	por p4, p3;
	s10 =	sadd.s32 $0x6200, s2;
	[smem:$0x7F4] =	sst s8  }
0x27: {  	s1 =	simm.s32 $0x0;
	s13 =	sadd.s32 $0x9300, s2;
	[smem:$0x7F5] =	sst s10  }
0x28: {  	s9 =	simm.s32 $0x1B000;
	s15 =	sadd.s32 $0xC400, s2;
	[smem:$0x7F6] =	sst s13  }
0x29: {  	s24 =	simm.s32 $0x18800;
	s17 =	sadd.s32 $0xF500, s2;
	[smem:$0x7F7] =	sst s15  }
0x2a: {  	s25 =	simm.s32 $0x3;
	s19 =	sadd.s32 $0x12600, s2;
	[smem:$0x7F8] =	sst s17  }
0x2b: {  	s26 =	simm.s32 $0x1EC00;
	s2 =	sadd.s32 $0x15700, s2;
	[smem:$0x7F9] =	sst s19  }
0x2c: {  	s14 =	simm.s32 $0x1ECA0;
	s12 =	simm.s32 $0x1EC50;
	[smem:$0x7FB] =	sst s2  }
0x2d: {  	s10 =	simm.s32 $0x2;
	s13 =	simm.s32 $0x18D00;
	s15 =	simm.s32 $0x19200  }
0x2e: {  	v0 =	vimm.f32 $0.0e+00;
	s17 =	simm.s32 $0x19700;
	s19 =	simm.s32 $0x19C00;
	s8 =	simm.s32 $0x1AB00  }
.LBB2_1:
0x2f: {  	[smem:$0x7F3] =	sst s1;
	s0 =	simm.s32 $0x40;
	s2 =	simm.s32 $0x0  }
.LBB2_2:
0x30: {  	p4 =	sne.s32 s0, $0xC7C0;
	[tilespmem:s2+$0x18800] =	vst v0;
	s2 =	smov.u32 s0;
	s0 =	sadd.s32 $0x40, s0  }
.Ltmp0:
0x31: {  	(pc) =	sbr.rel @p4 .LBB2_2-.Ltmp0, $2  }
0x32: {  	_ =	sdelay $0x2  }
0x33: {  	s2 =	sshra.s32 s2, $0x2  }
0x34: {  	s0 =	sld [smem:$0x7FA];
	_ =	sdelay $0x1  }
0x35: {  	[tilespmem:s2+$0x18800] =	vst v0  }
0x36: {  	[spmem:s0] =	stream.linear.scatter [tilespmem:s24], [sflag:$0x3], $0x3100, $0x38;
	[tilespmem:$0x1F240] =	vst v63  }
0x37: {  	_ =	swait.ge [sflag:s25], $0x3100  }
0x38: {  	s6 =	sld [smem:$0x7F4]  }
0x39: {  	[sflag:s25] =	ssyncset.done $0x0  }
0x3a: {  	[sflag:s25] =	ssyncadd.s32 $0xFFFFCF00  }
0x3b: {  	[spmem:s6] =	stream.linear.scatter [tilespmem:s24], [sflag:$0x3], $0x3100, $0x38;
	[tilespmem:$0x1F240] =	vst v63  }
0x3c: {  	_ =	swait.ge [sflag:s25], $0x3100  }
0x3d: {  	s7 =	sld [smem:$0x7F5]  }
0x3e: {  	[sflag:s25] =	ssyncset.done $0x0  }
0x3f: {  	[sflag:s25] =	ssyncadd.s32 $0xFFFFCF00  }
0x40: {  	[spmem:s7] =	stream.linear.scatter [tilespmem:s24], [sflag:$0x3], $0x3100, $0x38;
	[tilespmem:$0x1F240] =	vst v63  }
0x41: {  	_ =	swait.ge [sflag:s25], $0x3100  }
0x42: {  	s23 =	sld [smem:$0x7F6]  }
0x43: {  	[sflag:s25] =	ssyncset.done $0x0  }
0x44: {  	[sflag:s25] =	ssyncadd.s32 $0xFFFFCF00  }
0x45: {  	[spmem:s23] =	stream.linear.scatter [tilespmem:s24], [sflag:$0x3], $0x3100, $0x38;
	[tilespmem:$0x1F240] =	vst v63  }
0x46: {  	_ =	swait.ge [sflag:s25], $0x3100  }
0x47: {  	s1 =	sld [smem:$0x7F7]  }
0x48: {  	[sflag:s25] =	ssyncset.done $0x0  }
0x49: {  	[sflag:s25] =	ssyncadd.s32 $0xFFFFCF00  }
0x4a: {  	[spmem:s1] =	stream.linear.scatter [tilespmem:s24], [sflag:$0x3], $0x3100, $0x38;
	[tilespmem:$0x1F240] =	vst v63  }
0x4b: {  	_ =	swait.ge [sflag:s25], $0x3100  }
0x4c: {  	s2 =	sld [smem:$0x7F8]  }
0x4d: {  	[sflag:s25] =	ssyncset.done $0x0  }
0x4e: {  	[sflag:s25] =	ssyncadd.s32 $0xFFFFCF00  }
0x4f: {  	[spmem:s2] =	stream.linear.scatter [tilespmem:s24], [sflag:$0x3], $0x3100, $0x38;
	[tilespmem:$0x1F240] =	vst v63  }
0x50: {  	_ =	swait.ge [sflag:s25], $0x3100  }
0x51: {  	s5 =	sld [smem:$0x7F9]  }
0x52: {  	[sflag:s25] =	ssyncset.done $0x0  }
0x53: {  	[sflag:s25] =	ssyncadd.s32 $0xFFFFCF00  }
0x54: {  	[spmem:s5] =	stream.linear.scatter [tilespmem:s24], [sflag:$0x3], $0x3100, $0x38;
	[tilespmem:$0x1F240] =	vst v63  }
0x55: {  	_ =	swait.ge [sflag:s25], $0x3100  }
0x56: {  	s6 =	sld [smem:$0x7FB]  }
0x57: {  	[sflag:s25] =	ssyncset.done $0x0  }
0x58: {  	[sflag:s25] =	ssyncadd.s32 $0xFFFFCF00  }
0x59: {  	[spmem:s6] =	stream.linear.scatter [tilespmem:s24], [sflag:$0x3], $0x3100, $0x38;
	[tilespmem:$0x1F240] =	vst v63  }
0x5a: {  	_ =	swait.ge [sflag:s25], $0x3100  }
0x5b: {  	[sflag:s25] =	ssyncset.done $0x0  }
0x5c: {  	[sflag:s25] =	ssyncadd.s32 $0xFFFFCF00  }
0x5d: {  	[bflag:$0x0] =	sbarrier.arrive $0xFFFF  }
0x5e: {  	s7 =	simm.s32 $0x0;
	s23 =	rddreg [dreg:$0x17]  }
0x5f: {  	[tilespmem:s24], [sflag:$0x1] =	stream.linear.gather [hbm4b:s23+s7], $0x3200, $0x38;
	[tilespmem:$0x1F240] =	vst v63  }
0x60: {  	s23 =	sld [smem:$0x7FC]  }
0x61: {  	s1 =	rddreg [dreg:$0x18]  }
0x62: {  	[tilespmem:s26], [sflag:$0x1] =	stream.linear.gather [hbm4b:s1+s7], $0x320, $0x38;
	[tilespmem:$0x1F240] =	vst v63  }
0x63: {  	s5 =	rddreg [dreg:$0x4];
	s6 =	sadd.s32 $0xFFFFF9C0, s23  }
0x64: {  	[tilespmem:s28], [sflag:$0x2] =	stream.linear.gather [hbm4b:s6+s4], $0x3200, $0x38;
	[tilespmem:$0x1F240] =	vst v63  }
0x65: {  	s0 =	sadd.s32 $0x0, s5  }
0x66: {  	[tilespmem:s29], [sflag:$0x2] =	stream.linear.gather [hbm4b:s0+s4], $0x320, $0x38;
	[tilespmem:$0x1F240] =	vst v63  }
0x67: {  	_ =	swait.ge [sflag:s30], $0x3200  }
0x68: {  	[sflag:s30] =	ssyncset.done $0x0  }
0x69: {  	[sflag:s30] =	ssyncadd.s32 $0xFFFFCE00  }
0x6a: {  	_ =	swait.ge [sflag:s30], $0x320  }
0x6b: {  	[sflag:s30] =	ssyncset.done $0x0  }
0x6c: {  	[sflag:s30] =	ssyncadd.s32 $0xFFFFFCE0  }
0x6d: {  	[spmem:s3] =	stream.indirect.scatter.add.f32 [tilespmem:s24], [sflag:$0x3], $0x10, s26, s31, $0xb8;
	[tilespmem:$0x1F240] =	vst v63  }
0x6e: {  	_ =	swait.ge [sflag:s25], $0x500  }
0x6f: {  	[sflag:s25] =	ssyncset.done $0x0  }
0x70: {  	s7 =	simm.s32 $0x1EC50;
	s1 =	simm.s32 $0x18D00;
	[sflag:s25] =	ssyncadd.s32 $0xFFFFFB00  }
0x71: {  	[spmem:s3] =	stream.indirect.scatter.add.f32 [tilespmem:s1], [sflag:$0x3], $0x10, s7, s31, $0xb8;
	[tilespmem:$0x1F240] =	vst v63  }
0x72: {  	_ =	swait.ge [sflag:s25], $0x500  }
0x73: {  	[sflag:s25] =	ssyncset.done $0x0  }
0x74: {  	s2 =	simm.s32 $0x1ECA0;
	s5 =	simm.s32 $0x19200;
	[sflag:s25] =	ssyncadd.s32 $0xFFFFFB00  }
0x75: {  	[spmem:s3] =	stream.indirect.scatter.add.f32 [tilespmem:s5], [sflag:$0x3], $0x10, s2, s31, $0xb8;
	[tilespmem:$0x1F240] =	vst v63  }
0x76: {  	_ =	swait.ge [sflag:s25], $0x500  }
0x77: {  	[sflag:s25] =	ssyncset.done $0x0  }
0x78: {  	s6 =	simm.s32 $0x1ECF0;
	s7 =	simm.s32 $0x19700;
	[sflag:s25] =	ssyncadd.s32 $0xFFFFFB00  }
0x79: {  	[spmem:s3] =	stream.indirect.scatter.add.f32 [tilespmem:s7], [sflag:$0x3], $0x10, s6, s31, $0xb8;
	[tilespmem:$0x1F240] =	vst v63  }
0x7a: {  	_ =	swait.ge [sflag:s25], $0x500  }
0x7b: {  	[sflag:s25] =	ssyncset.done $0x0  }
0x7c: {  	s2 =	simm.s32 $0x1ED40;
	s5 =	simm.s32 $0x19C00;
	[sflag:s25] =	ssyncadd.s32 $0xFFFFFB00  }
0x7d: {  	[spmem:s3] =	stream.indirect.scatter.add.f32 [tilespmem:s5], [sflag:$0x3], $0x10, s2, s31, $0xb8;
	[tilespmem:$0x1F240] =	vst v63  }
0x7e: {  	_ =	swait.ge [sflag:s25], $0x500  }
0x7f: {  	[sflag:s25] =	ssyncset.done $0x0  }
0x80: {  	s6 =	simm.s32 $0x1ED90;
	s7 =	simm.s32 $0x1A100;
	[sflag:s25] =	ssyncadd.s32 $0xFFFFFB00  }
0x81: {  	[spmem:s3] =	stream.indirect.scatter.add.f32 [tilespmem:s7], [sflag:$0x3], $0x10, s6, s31, $0xb8;
	[tilespmem:$0x1F240] =	vst v63  }
0x82: {  	_ =	swait.ge [sflag:s25], $0x500  }
0x83: {  	[sflag:s25] =	ssyncset.done $0x0  }
0x84: {  	s2 =	simm.s32 $0x1EDE0;
	s5 =	simm.s32 $0x1A600;
	[sflag:s25] =	ssyncadd.s32 $0xFFFFFB00  }
0x85: {  	[spmem:s3] =	stream.indirect.scatter.add.f32 [tilespmem:s5], [sflag:$0x3], $0x10, s2, s31, $0xb8;
	[tilespmem:$0x1F240] =	vst v63  }
0x86: {  	_ =	swait.ge [sflag:s25], $0x500  }
0x87: {  	[sflag:s25] =	ssyncset.done $0x0  }
0x88: {  	s6 =	simm.s32 $0x1EE30;
	s7 =	simm.s32 $0x1AB00;
	[sflag:s25] =	ssyncadd.s32 $0xFFFFFB00  }
0x89: {  	[spmem:s3] =	stream.indirect.scatter.add.f32 [tilespmem:s7], [sflag:$0x3], $0x10, s6, s31, $0xb8;
	[tilespmem:$0x1F240] =	vst v63  }
0x8a: {  	_ =	swait.ge [sflag:s25], $0x500  }
0x8b: {  	[sflag:s25] =	ssyncset.done $0x0  }
0x8c: {  	s2 =	simm.s32 $0x1EE80;
	s5 =	simm.s32 $0x1B000;
	[sflag:s25] =	ssyncadd.s32 $0xFFFFFB00  }
0x8d: {  	[spmem:s3] =	stream.indirect.scatter.add.f32 [tilespmem:s5], [sflag:$0x3], $0x10, s2, s31, $0xb8;
	[tilespmem:$0x1F240] =	vst v63  }
0x8e: {  	_ =	swait.ge [sflag:s25], $0x500  }
0x8f: {  	[sflag:s25] =	ssyncset.done $0x0  }
0x90: {  	s6 =	simm.s32 $0x1EED0;
	s7 =	simm.s32 $0x1B500;
	[sflag:s25] =	ssyncadd.s32 $0xFFFFFB00  }
0x91: {  	[spmem:s3] =	stream.indirect.scatter.add.f32 [tilespmem:s7], [sflag:$0x3], $0x10, s6, s31, $0xb8;
	[tilespmem:$0x1F240] =	vst v63  }
0x92: {  	_ =	swait.ge [sflag:s25], $0x500  }
0x93: {  	[sflag:s25] =	ssyncset.done $0x0;
	s6 =	sld [smem:$0x7FD]  }
0x94: {  	[sflag:s25] =	ssyncadd.s32 $0xFFFFFB00  }
0x95: {  	[tilespmem:s24], [sflag:$0x1] =	stream.linear.gather [hbm4b:s23+s4], $0x3200, $0x38;
	[tilespmem:$0x1F240] =	vst v63  }
0x96: {  	s2 =	sshrl.u32 s6, $0x3  }
0x97: {  	s0 =	sadd.s32 s22, s2  }
0x98: {  	[tilespmem:s26], [sflag:$0x1] =	stream.linear.gather [hbm4b:s0+s4], $0x320, $0x38;
	[tilespmem:$0x1F240] =	vst v63  }
0x99: {  	_ =	swait.ge [sflag:s10], $0x3200  }
0x9a: {  	[sflag:s10] =	ssyncset.done $0x0  }
0x9b: {  	[sflag:s10] =	ssyncadd.s32 $0xFFFFCE00  }
0x9c: {  	_ =	swait.ge [sflag:s10], $0x320  }
0x9d: {  	[sflag:s10] =	ssyncset.done $0x0  }
0x9e: {  	[sflag:s10] =	ssyncadd.s32 $0xFFFFFCE0  }
0x9f: {  	[spmem:s3] =	stream.indirect.scatter.add.f32 [tilespmem:s28], [sflag:$0x3], $0x10, s29, s31, $0xb8;
	[tilespmem:$0x1F240] =	vst v63  }
0xa0: {  	_ =	swait.ge [sflag:s25], $0x500  }
0xa1: {  	s5 =	rddreg [dreg:$0x5];
	[sflag:s25] =	ssyncset.done $0x0  }
0xa2: {  	s7 =	rddreg [dreg:$0x6];
	[sflag:s25] =	ssyncadd.s32 $0xFFFFFB00  }
0xa3: {  	[spmem:s3] =	stream.indirect.scatter.add.f32 [tilespmem:s7], [sflag:$0x3], $0x10, s5, s31, $0xb8;
	[tilespmem:$0x1F240] =	vst v63  }
0xa4: {  	_ =	swait.ge [sflag:s25], $0x500  }
0xa5: {  	s5 =	rddreg [dreg:$0x7];
	[sflag:s25] =	ssyncset.done $0x0  }
0xa6: {  	s7 =	rddreg [dreg:$0x8];
	[sflag:s25] =	ssyncadd.s32 $0xFFFFFB00  }
0xa7: {  	[spmem:s3] =	stream.indirect.scatter.add.f32 [tilespmem:s7], [sflag:$0x3], $0x10, s5, s31, $0xb8;
	[tilespmem:$0x1F240] =	vst v63  }
0xa8: {  	_ =	swait.ge [sflag:s25], $0x500  }
0xa9: {  	s5 =	rddreg [dreg:$0x9];
	[sflag:s25] =	ssyncset.done $0x0  }
0xaa: {  	s7 =	rddreg [dreg:$0xa];
	[sflag:s25] =	ssyncadd.s32 $0xFFFFFB00  }
0xab: {  	[spmem:s3] =	stream.indirect.scatter.add.f32 [tilespmem:s7], [sflag:$0x3], $0x10, s5, s31, $0xb8;
	[tilespmem:$0x1F240] =	vst v63  }
0xac: {  	_ =	swait.ge [sflag:s25], $0x500  }
0xad: {  	s5 =	rddreg [dreg:$0xb];
	[sflag:s25] =	ssyncset.done $0x0  }
0xae: {  	s7 =	rddreg [dreg:$0xc];
	[sflag:s25] =	ssyncadd.s32 $0xFFFFFB00  }
0xaf: {  	[spmem:s3] =	stream.indirect.scatter.add.f32 [tilespmem:s7], [sflag:$0x3], $0x10, s5, s31, $0xb8;
	[tilespmem:$0x1F240] =	vst v63  }
0xb0: {  	_ =	swait.ge [sflag:s25], $0x500  }
0xb1: {  	s5 =	rddreg [dreg:$0xd];
	[sflag:s25] =	ssyncset.done $0x0  }
0xb2: {  	s7 =	rddreg [dreg:$0xe];
	[sflag:s25] =	ssyncadd.s32 $0xFFFFFB00  }
0xb3: {  	[spmem:s3] =	stream.indirect.scatter.add.f32 [tilespmem:s7], [sflag:$0x3], $0x10, s5, s31, $0xb8;
	[tilespmem:$0x1F240] =	vst v63  }
0xb4: {  	_ =	swait.ge [sflag:s25], $0x500  }
0xb5: {  	s5 =	rddreg [dreg:$0xf];
	[sflag:s25] =	ssyncset.done $0x0  }
0xb6: {  	s7 =	rddreg [dreg:$0x10];
	[sflag:s25] =	ssyncadd.s32 $0xFFFFFB00  }
0xb7: {  	[spmem:s3] =	stream.indirect.scatter.add.f32 [tilespmem:s7], [sflag:$0x3], $0x10, s5, s31, $0xb8;
	[tilespmem:$0x1F240] =	vst v63  }
0xb8: {  	_ =	swait.ge [sflag:s25], $0x500  }
0xb9: {  	s5 =	rddreg [dreg:$0x11];
	[sflag:s25] =	ssyncset.done $0x0  }
0xba: {  	s1 =	simm.s32 $0x1A600;
	s7 =	rddreg [dreg:$0x12];
	[sflag:s25] =	ssyncadd.s32 $0xFFFFFB00  }
0xbb: {  	[spmem:s3] =	stream.indirect.scatter.add.f32 [tilespmem:s7], [sflag:$0x3], $0x10, s5, s31, $0xb8;
	[tilespmem:$0x1F240] =	vst v63  }
0xbc: {  	s23 =	sadd.s32 $0xC80, s23;
	s2 =	sadd.s32 $0x640, s6;
	_ =	swait.ge [sflag:s25], $0x500  }
0xbd: {  	s7 =	smov.u32 s22;
	[sflag:s25] =	ssyncset.done $0x0;
	s0 =	rddreg [dreg:$0x13]  }
0xbe: {  	s22 =	simm.s32 $0xC8;
	s5 =	rddreg [dreg:$0x14];
	[sflag:s25] =	ssyncadd.s32 $0xFFFFFB00  }
.LBB2_4:
0xbf: {  	[spmem:s3] =	stream.indirect.scatter.add.f32 [tilespmem:s5], [sflag:$0x3], $0x10, s0, s31, $0xb8;
	[tilespmem:$0x1F240] =	vst v63  }
0xc0: {  	_ =	swait.ge [sflag:s25], $0x500  }
0xc1: {  	[sflag:s25] =	ssyncset.done $0x0;
	s5 =	rddreg [dreg:$0x15]  }
0xc2: {  	s6 =	rddreg [dreg:$0x16];
	[sflag:s25] =	ssyncadd.s32 $0xFFFFFB00  }
0xc3: {  	[spmem:s3] =	stream.indirect.scatter.add.f32 [tilespmem:s6], [sflag:$0x3], $0x10, s5, s31, $0xb8;
	[tilespmem:$0x1F240] =	vst v63  }
0xc4: {  	_ =	swait.ge [sflag:s25], $0x500  }
0xc5: {  	s0 =	smov.u32 s22;
	[sflag:s25] =	ssyncset.done $0x0  }
0xc6: {  	s6 =	sadd.s32 $0xFFFFF9C0, s23;
	s5 =	rddreg [dreg:$0x4];
	[sflag:s25] =	ssyncadd.s32 $0xFFFFFB00  }
0xc7: {  	[tilespmem:s28], [sflag:$0x2] =	stream.linear.gather [hbm4b:s6+s4], $0x3200, $0x38;
	[tilespmem:$0x1F240] =	vst v63  }
0xc8: {  	s0 =	sadd.s32 s0, s5  }
0xc9: {  	[tilespmem:s29], [sflag:$0x2] =	stream.linear.gather [hbm4b:s0+s4], $0x320, $0x38;
	[tilespmem:$0x1F240] =	vst v63  }
0xca: {  	_ =	swait.ge [sflag:s30], $0x3200  }
0xcb: {  	[sflag:s30] =	ssyncset.done $0x0  }
0xcc: {  	[sflag:s30] =	ssyncadd.s32 $0xFFFFCE00  }
0xcd: {  	_ =	swait.ge [sflag:s30], $0x320  }
0xce: {  	[sflag:s30] =	ssyncset.done $0x0  }
0xcf: {  	[sflag:s30] =	ssyncadd.s32 $0xFFFFFCE0  }
0xd0: {  	[spmem:s3] =	stream.indirect.scatter.add.f32 [tilespmem:s24], [sflag:$0x3], $0x10, s26, s31, $0xb8;
	[tilespmem:$0x1F240] =	vst v63  }
0xd1: {  	_ =	swait.ge [sflag:s25], $0x500  }
0xd2: {  	[sflag:s25] =	ssyncset.done $0x0  }
0xd3: {  	[sflag:s25] =	ssyncadd.s32 $0xFFFFFB00  }
0xd4: {  	[spmem:s3] =	stream.indirect.scatter.add.f32 [tilespmem:s13], [sflag:$0x3], $0x10, s12, s31, $0xb8;
	[tilespmem:$0x1F240] =	vst v63  }
0xd5: {  	_ =	swait.ge [sflag:s25], $0x500  }
0xd6: {  	[sflag:s25] =	ssyncset.done $0x0  }
0xd7: {  	[sflag:s25] =	ssyncadd.s32 $0xFFFFFB00  }
0xd8: {  	[spmem:s3] =	stream.indirect.scatter.add.f32 [tilespmem:s15], [sflag:$0x3], $0x10, s14, s31, $0xb8;
	[tilespmem:$0x1F240] =	vst v63  }
0xd9: {  	_ =	swait.ge [sflag:s25], $0x500  }
0xda: {  	[sflag:s25] =	ssyncset.done $0x0  }
0xdb: {  	[sflag:s25] =	ssyncadd.s32 $0xFFFFFB00  }
0xdc: {  	[spmem:s3] =	stream.indirect.scatter.add.f32 [tilespmem:s17], [sflag:$0x3], $0x10, s16, s31, $0xb8;
	[tilespmem:$0x1F240] =	vst v63  }
0xdd: {  	_ =	swait.ge [sflag:s25], $0x500  }
0xde: {  	[sflag:s25] =	ssyncset.done $0x0  }
0xdf: {  	[sflag:s25] =	ssyncadd.s32 $0xFFFFFB00  }
0xe0: {  	[spmem:s3] =	stream.indirect.scatter.add.f32 [tilespmem:s19], [sflag:$0x3], $0x10, s18, s31, $0xb8;
	[tilespmem:$0x1F240] =	vst v63  }
0xe1: {  	_ =	swait.ge [sflag:s25], $0x500  }
0xe2: {  	[sflag:s25] =	ssyncset.done $0x0  }
0xe3: {  	[sflag:s25] =	ssyncadd.s32 $0xFFFFFB00  }
0xe4: {  	[spmem:s3] =	stream.indirect.scatter.add.f32 [tilespmem:s21], [sflag:$0x3], $0x10, s20, s31, $0xb8;
	[tilespmem:$0x1F240] =	vst v63  }
0xe5: {  	_ =	swait.ge [sflag:s25], $0x500  }
0xe6: {  	[sflag:s25] =	ssyncset.done $0x0  }
0xe7: {  	s6 =	simm.s32 $0x1EDE0;
	[sflag:s25] =	ssyncadd.s32 $0xFFFFFB00  }
0xe8: {  	[spmem:s3] =	stream.indirect.scatter.add.f32 [tilespmem:s1], [sflag:$0x3], $0x10, s6, s31, $0xb8;
	[tilespmem:$0x1F240] =	vst v63  }
0xe9: {  	_ =	swait.ge [sflag:s25], $0x500  }
0xea: {  	[sflag:s25] =	ssyncset.done $0x0  }
0xeb: {  	s5 =	simm.s32 $0x1EE30;
	[sflag:s25] =	ssyncadd.s32 $0xFFFFFB00  }
0xec: {  	[spmem:s3] =	stream.indirect.scatter.add.f32 [tilespmem:s8], [sflag:$0x3], $0x10, s5, s31, $0xb8;
	[tilespmem:$0x1F240] =	vst v63  }
0xed: {  	_ =	swait.ge [sflag:s25], $0x500  }
0xee: {  	[sflag:s25] =	ssyncset.done $0x0  }
0xef: {  	s6 =	simm.s32 $0x1EE80;
	[sflag:s25] =	ssyncadd.s32 $0xFFFFFB00  }
0xf0: {  	[spmem:s3] =	stream.indirect.scatter.add.f32 [tilespmem:s9], [sflag:$0x3], $0x10, s6, s31, $0xb8;
	[tilespmem:$0x1F240] =	vst v63  }
0xf1: {  	_ =	swait.ge [sflag:s25], $0x500  }
0xf2: {  	[sflag:s25] =	ssyncset.done $0x0  }
0xf3: {  	s5 =	simm.s32 $0x1EED0;
	[sflag:s25] =	ssyncadd.s32 $0xFFFFFB00  }
0xf4: {  	[spmem:s3] =	stream.indirect.scatter.add.f32 [tilespmem:s11], [sflag:$0x3], $0x10, s5, s31, $0xb8;
	[tilespmem:$0x1F240] =	vst v63  }
0xf5: {  	_ =	swait.ge [sflag:s25], $0x500  }
0xf6: {  	[sflag:s25] =	ssyncset.done $0x0  }
0xf7: {  	s6 =	sshrl.u32 s2, $0x3;
	[sflag:s25] =	ssyncadd.s32 $0xFFFFFB00  }
0xf8: {  	[tilespmem:s24], [sflag:$0x1] =	stream.linear.gather [hbm4b:s23+s4], $0x3200, $0x38;
	[tilespmem:$0x1F240] =	vst v63  }
0xf9: {  	s0 =	sadd.s32 s7, s6  }
0xfa: {  	[tilespmem:s26], [sflag:$0x1] =	stream.linear.gather [hbm4b:s0+s4], $0x320, $0x38;
	[tilespmem:$0x1F240] =	vst v63  }
0xfb: {  	_ =	swait.ge [sflag:s10], $0x3200  }
0xfc: {  	[sflag:s10] =	ssyncset.done $0x0  }
0xfd: {  	[sflag:s10] =	ssyncadd.s32 $0xFFFFCE00  }
0xfe: {  	_ =	swait.ge [sflag:s10], $0x320  }
0xff: {  	[sflag:s10] =	ssyncset.done $0x0  }
0x100: {  	[sflag:s10] =	ssyncadd.s32 $0xFFFFFCE0  }
0x101: {  	[spmem:s3] =	stream.indirect.scatter.add.f32 [tilespmem:s28], [sflag:$0x3], $0x10, s29, s31, $0xb8;
	[tilespmem:$0x1F240] =	vst v63  }
0x102: {  	_ =	swait.ge [sflag:s25], $0x500  }
0x103: {  	s5 =	rddreg [dreg:$0x5];
	[sflag:s25] =	ssyncset.done $0x0  }
0x104: {  	s6 =	rddreg [dreg:$0x6];
	[sflag:s25] =	ssyncadd.s32 $0xFFFFFB00  }
0x105: {  	[spmem:s3] =	stream.indirect.scatter.add.f32 [tilespmem:s6], [sflag:$0x3], $0x10, s5, s31, $0xb8;
	[tilespmem:$0x1F240] =	vst v63  }
0x106: {  	_ =	swait.ge [sflag:s25], $0x500  }
0x107: {  	[sflag:s25] =	ssyncset.done $0x0;
	s5 =	rddreg [dreg:$0x7]  }
0x108: {  	s6 =	rddreg [dreg:$0x8];
	[sflag:s25] =	ssyncadd.s32 $0xFFFFFB00  }
0x109: {  	[spmem:s3] =	stream.indirect.scatter.add.f32 [tilespmem:s6], [sflag:$0x3], $0x10, s5, s31, $0xb8;
	[tilespmem:$0x1F240] =	vst v63  }
0x10a: {  	_ =	swait.ge [sflag:s25], $0x500  }
0x10b: {  	[sflag:s25] =	ssyncset.done $0x0;
	s5 =	rddreg [dreg:$0x9]  }
0x10c: {  	s6 =	rddreg [dreg:$0xa];
	[sflag:s25] =	ssyncadd.s32 $0xFFFFFB00  }
0x10d: {  	[spmem:s3] =	stream.indirect.scatter.add.f32 [tilespmem:s6], [sflag:$0x3], $0x10, s5, s31, $0xb8;
	[tilespmem:$0x1F240] =	vst v63  }
0x10e: {  	_ =	swait.ge [sflag:s25], $0x500  }
0x10f: {  	[sflag:s25] =	ssyncset.done $0x0;
	s5 =	rddreg [dreg:$0xb]  }
0x110: {  	s6 =	rddreg [dreg:$0xc];
	[sflag:s25] =	ssyncadd.s32 $0xFFFFFB00  }
0x111: {  	[spmem:s3] =	stream.indirect.scatter.add.f32 [tilespmem:s6], [sflag:$0x3], $0x10, s5, s31, $0xb8;
	[tilespmem:$0x1F240] =	vst v63  }
0x112: {  	_ =	swait.ge [sflag:s25], $0x500  }
0x113: {  	[sflag:s25] =	ssyncset.done $0x0;
	s5 =	rddreg [dreg:$0xd]  }
0x114: {  	s6 =	rddreg [dreg:$0xe];
	[sflag:s25] =	ssyncadd.s32 $0xFFFFFB00  }
0x115: {  	[spmem:s3] =	stream.indirect.scatter.add.f32 [tilespmem:s6], [sflag:$0x3], $0x10, s5, s31, $0xb8;
	[tilespmem:$0x1F240] =	vst v63  }
0x116: {  	_ =	swait.ge [sflag:s25], $0x500  }
0x117: {  	[sflag:s25] =	ssyncset.done $0x0;
	s5 =	rddreg [dreg:$0xf]  }
0x118: {  	s6 =	rddreg [dreg:$0x10];
	[sflag:s25] =	ssyncadd.s32 $0xFFFFFB00  }
0x119: {  	[spmem:s3] =	stream.indirect.scatter.add.f32 [tilespmem:s6], [sflag:$0x3], $0x10, s5, s31, $0xb8;
	[tilespmem:$0x1F240] =	vst v63  }
0x11a: {  	_ =	swait.ge [sflag:s25], $0x500  }
0x11b: {  	p4 =	sne.s32 s22, $0x2FA8;
	[sflag:s25] =	ssyncset.done $0x0;
	s5 =	rddreg [dreg:$0x11]  }
.Ltmp1:
0x11c: {  	s6 =	rddreg [dreg:$0x12];
	[sflag:s25] =	ssyncadd.s32 $0xFFFFFB00;
	(pc) =	sbr.rel @p4 .LBB2_4-.Ltmp1, $4  }
0x11d: {  	[spmem:s3] =	stream.indirect.scatter.add.f32 [tilespmem:s6], [sflag:$0x3], $0x10, s5, s31, $0xb8;
	[tilespmem:$0x1F240] =	vst v63  }
0x11e: {  	s22 =	sadd.s32 $0xC8, s22;
	_ =	swait.ge [sflag:s25], $0x500  }
0x11f: {  	s2 =	sadd.s32 $0x640, s2;
	[sflag:s25] =	ssyncset.done $0x0;
	s0 =	rddreg [dreg:$0x13]  }
0x120: {  	s23 =	sadd.s32 $0xC80, s23;
	s5 =	rddreg [dreg:$0x14];
	[sflag:s25] =	ssyncadd.s32 $0xFFFFFB00  }
0x121: {  	[spmem:s3] =	stream.indirect.scatter.add.f32 [tilespmem:s5], [sflag:$0x3], $0x10, s0, s31, $0xb8;
	[tilespmem:$0x1F240] =	vst v63  }
0x122: {  	_ =	swait.ge [sflag:s25], $0x500  }
0x123: {  	s22 =	rddreg [dreg:$0x15];
	[sflag:s25] =	ssyncset.done $0x0  }
0x124: {  	s2 =	rddreg [dreg:$0x16];
	[sflag:s25] =	ssyncadd.s32 $0xFFFFFB00  }
0x125: {  	[spmem:s3] =	stream.indirect.scatter.add.f32 [tilespmem:s2], [sflag:$0x3], $0x10, s22, s31, $0xb8;
	[tilespmem:$0x1F240] =	vst v63  }
0x126: {  	_ =	swait.ge [sflag:s25], $0x500  }
0x127: {  	[sflag:s25] =	ssyncset.done $0x0  }
0x128: {  	[sflag:s25] =	ssyncadd.s32 $0xFFFFFB00  }
0x129: {  	_ =	swait.ge [sflag:s30], $0x3200  }
0x12a: {  	[sflag:s30] =	ssyncset.done $0x0  }
0x12b: {  	[sflag:s30] =	ssyncadd.s32 $0xFFFFCE00  }
0x12c: {  	_ =	swait.ge [sflag:s30], $0x320  }
0x12d: {  	[sflag:s30] =	ssyncset.done $0x0  }
0x12e: {  	[sflag:s30] =	ssyncadd.s32 $0xFFFFFCE0  }
0x12f: {  	[spmem:s3] =	stream.indirect.scatter.add.f32 [tilespmem:s24], [sflag:$0x3], $0x10, s26, s31, $0xb8;
	[tilespmem:$0x1F240] =	vst v63  }
0x130: {  	_ =	swait.ge [sflag:s25], $0x500  }
0x131: {  	[sflag:s25] =	ssyncset.done $0x0  }
0x132: {  	[sflag:s25] =	ssyncadd.s32 $0xFFFFFB00  }
0x133: {  	[spmem:s3] =	stream.indirect.scatter.add.f32 [tilespmem:s13], [sflag:$0x3], $0x10, s12, s31, $0xb8;
	[tilespmem:$0x1F240] =	vst v63  }
0x134: {  	_ =	swait.ge [sflag:s25], $0x500  }
0x135: {  	[sflag:s25] =	ssyncset.done $0x0  }
0x136: {  	[sflag:s25] =	ssyncadd.s32 $0xFFFFFB00  }
0x137: {  	[spmem:s3] =	stream.indirect.scatter.add.f32 [tilespmem:s15], [sflag:$0x3], $0x10, s14, s31, $0xb8;
	[tilespmem:$0x1F240] =	vst v63  }
0x138: {  	_ =	swait.ge [sflag:s25], $0x500  }
0x139: {  	[sflag:s25] =	ssyncset.done $0x0  }
0x13a: {  	[sflag:s25] =	ssyncadd.s32 $0xFFFFFB00  }
0x13b: {  	[spmem:s3] =	stream.indirect.scatter.add.f32 [tilespmem:s17], [sflag:$0x3], $0x10, s16, s31, $0xb8;
	[tilespmem:$0x1F240] =	vst v63  }
0x13c: {  	_ =	swait.ge [sflag:s25], $0x500  }
0x13d: {  	[sflag:s25] =	ssyncset.done $0x0  }
0x13e: {  	[sflag:s25] =	ssyncadd.s32 $0xFFFFFB00  }
0x13f: {  	[spmem:s3] =	stream.indirect.scatter.add.f32 [tilespmem:s19], [sflag:$0x3], $0x10, s18, s31, $0xb8;
	[tilespmem:$0x1F240] =	vst v63  }
0x140: {  	_ =	swait.ge [sflag:s25], $0x500  }
0x141: {  	[sflag:s25] =	ssyncset.done $0x0  }
0x142: {  	[sflag:s25] =	ssyncadd.s32 $0xFFFFFB00  }
0x143: {  	[spmem:s3] =	stream.indirect.scatter.add.f32 [tilespmem:s21], [sflag:$0x3], $0x10, s20, s31, $0xb8;
	[tilespmem:$0x1F240] =	vst v63  }
0x144: {  	_ =	swait.ge [sflag:s25], $0x500  }
0x145: {  	[sflag:s25] =	ssyncset.done $0x0  }
0x146: {  	s23 =	simm.s32 $0x1EDE0;
	[sflag:s25] =	ssyncadd.s32 $0xFFFFFB00  }
0x147: {  	[spmem:s3] =	stream.indirect.scatter.add.f32 [tilespmem:s1], [sflag:$0x3], $0x10, s23, s31, $0xb8;
	[tilespmem:$0x1F240] =	vst v63  }
0x148: {  	_ =	swait.ge [sflag:s25], $0x500  }
0x149: {  	[sflag:s25] =	ssyncset.done $0x0  }
0x14a: {  	s2 =	simm.s32 $0x1EE30;
	[sflag:s25] =	ssyncadd.s32 $0xFFFFFB00  }
0x14b: {  	[spmem:s3] =	stream.indirect.scatter.add.f32 [tilespmem:s8], [sflag:$0x3], $0x10, s2, s31, $0xb8;
	[tilespmem:$0x1F240] =	vst v63  }
0x14c: {  	_ =	swait.ge [sflag:s25], $0x500  }
0x14d: {  	[sflag:s25] =	ssyncset.done $0x0  }
0x14e: {  	s5 =	simm.s32 $0x1EE80;
	[sflag:s25] =	ssyncadd.s32 $0xFFFFFB00  }
0x14f: {  	[spmem:s3] =	stream.indirect.scatter.add.f32 [tilespmem:s9], [sflag:$0x3], $0x10, s5, s31, $0xb8;
	[tilespmem:$0x1F240] =	vst v63  }
0x150: {  	_ =	swait.ge [sflag:s25], $0x500  }
0x151: {  	[sflag:s25] =	ssyncset.done $0x0  }
0x152: {  	s6 =	simm.s32 $0x1EED0;
	[sflag:s25] =	ssyncadd.s32 $0xFFFFFB00  }
0x153: {  	[spmem:s3] =	stream.indirect.scatter.add.f32 [tilespmem:s11], [sflag:$0x3], $0x10, s6, s31, $0xb8;
	[tilespmem:$0x1F240] =	vst v63  }
0x154: {  	_ =	swait.ge [sflag:s25], $0x500  }
0x155: {  	[sflag:s25] =	ssyncset.done $0x0  }
0x156: {  	[sflag:s25] =	ssyncadd.s32 $0xFFFFFB00  }
0x157: {  	[bflag:$0x0] =	sbarrier.arrive $0xFFFF  }
0x158: {  	s5 =	rddreg [dreg:$0x1c]  }
0x159: {  	s2 =	simm.s32 @!p0 $0x1FC3;
	s6 =	rddreg [dreg:$0x1e];
	s0 =	sshrl.u32 @!p0 s5, $0x3  }
0x15a: {  	[hbm:s6], [sflag:s2] =	dma.local @!p0 [spmem:s0], $0x2E40  }
0x15b: {  	s0 =	simm.s32 @!p0 $0x3  }
0x15c: {  	_ =	swait.ge @!p0 [sflag:s0], $0x2E40  }
0x15d: {  	s6 =	stileid.u32;
	s22 =	rddreg [dreg:$0x1a]  }
0x15e: {  	s2 =	sshll.u32 @!p1 s6, $0x6;
	[sflag:s0] =	ssyncset.done @!p0 $0x0;
	s23 =	rddreg [dreg:$0x1d]  }
0x15f: {  	[sflag:s0] =	ssyncadd.s32 @!p0 $0xFFFFD1C0;
	s0 =	sor.u32 @!p1 $0x1C03, s2;
	s2 =	sshrl.u32 @!p1 s22, $0x3  }
0x160: {  	[hbm:s23], [sflag:s0] =	dma.local @!p1 [spmem:s2], $0x3100  }
0x161: {  	s0 =	simm.s32 @!p1 $0x3  }
0x162: {  	_ =	swait.ge @!p1 [sflag:s0], $0x3100  }
0x163: {  	s2 =	simm.s32 @!p2 $0x1FC3;
	[sflag:s0] =	ssyncset.done @!p1 $0x0  }
0x164: {  	[sflag:s0] =	ssyncadd.s32 @!p1 $0xFFFFCF00;
	s0 =	sshrl.u32 @!p2 s5, $0x3;
	s5 =	rddreg [dreg:$0x1b]  }
0x165: {  	[hbm:s5], [sflag:s2] =	dma.local @!p2 [spmem:s0], $0x2E40  }
0x166: {  	s0 =	simm.s32 @!p2 $0x3  }
0x167: {  	_ =	swait.ge @!p2 [sflag:s0], $0x2E40  }
0x168: {  	s2 =	sshll.u32 @!p3 s6, $0x6;
	[sflag:s0] =	ssyncset.done @!p2 $0x0;
	s6 =	rddreg [dreg:$0x19]  }
0x169: {  	[sflag:s0] =	ssyncadd.s32 @!p2 $0xFFFFD1C0;
	s0 =	sor.u32 @!p3 $0x1C03, s2;
	s2 =	sshrl.u32 @!p3 s22, $0x3  }
0x16a: {  	[hbm:s6], [sflag:s0] =	dma.local @!p3 [spmem:s2], $0x3100  }
0x16b: {  	s0 =	simm.s32 @!p3 $0x3  }
0x16c: {  	_ =	swait.ge @!p3 [sflag:s0], $0x3100  }
0x16d: {  	s22 =	sld [smem:$0x7F3];
	_ =	sdelay $0x2  }
0x16e: {  	s23 =	rddreg [dreg:$0x1f];
	s1 =	sadd.s32 $0x1, s22  }
0x16f: {  	p4 =	sne.s32 s1, s23  }
.Ltmp2:
0x170: {  	_ = 	snop;
	(pc) =	sbr.rel @p4 .LBB2_1-.Ltmp2, $3  }
0x171: {  	_ =	sdelay $0x1  }
0x172: {  	[sflag:s0] =	ssyncset.done @!p3 $0x0  }
0x173: {  	s5 =	stileid.u32;
	[sflag:s0] =	ssyncadd.s32 @!p3 $0xFFFFCF00;
	s22 =	smov.u32 s7  }
0x174: {  	_ =	sfence.sel $0x180000  }
0x175: {  	[bflag:$0x0] =	sbarrier.arrive $0xFFFF  }
0x176: {  	_ =	strace $0x90000047  }
0x177: {  	[bflag:$0x2] =	sbarrier.arrive $0xFFFF  }
0x178: {  	p0 =	sne.s32 s5, $0x0;
	s0 =	rddreg [dreg:$0x3]  }
0x179: {  	s0 =	sadd.s32 @!p0 $0x100000, s0  }
0x17a: {  	[sflag:s0] =	ssyncadd.tile.s32 @!p0 $0x1;
	_ =	shalt  }
.Lfunc_end2:
_tile_overlayer_lowered:
.L_overlay_start_2:
0x17b: {  	(tag) =	ssettag $0x2  }
0x17c: {  	s0 =	rddreg [dreg:$0x0];
	s2 =	stileid.u32  }
0x17d: {  	s1 =	rddreg [dreg:$0x1];
	p0 =	sne.s32 s2, $0x0  }
0x17e: {  	s3 =	rddreg [dreg:$0x2];
	[bflag:$0x3] =	sbarrier.arrive $0xFFFF;
	s2 =	simm.s32 @!p0 $0x1C03  }
0x17f: {  	[timem:s3], [sflag:s2] =	dma.local @!p0 [hbm:s0], s1  }
0x180: {  	s0 =	simm.s32 @!p0 $0x3  }
0x181: {  	_ =	swait.ge @!p0 [sflag:s0], s1  }
0x182: {  	s1 =	ssub.s32 @!p0 $0x0, s1;
	[sflag:s0] =	ssyncset.done @!p0 $0x0  }
0x183: {  	[sflag:s0] =	ssyncadd.s32 @!p0 s1  }
0x184: {  	[bflag:$0x3] =	sbarrier.arrive $0xFFFF  }
0x185: {  	_ =	shalt  }

</sc_bundles>
